<compile_context>
chip_gen: v7x
topology: tpu7x:2x2x1
jax: 0.10.2.dev20260603
libtpu: 0.0.44.dev20260713+nightly
codegen_flags: <defaults>
</compile_context>

<pallas_src>
import functools
import numpy as np
import jax
import jax.numpy as jnp
from jax.experimental import pallas as pl

B = 128
T = 256
N = 17
E = 38
H = 16
C = N * H
G = B * T
GB = 256

BF = jnp.bfloat16
F32 = jnp.float32

from jax import lax
from jax.experimental.pallas import tpu as pltpu, tpu_sc as plsc

ROW = 2 * E
SBIN = 304
NW = 32
GPW = G // NW
CH = 64
NCHUNK = GPW // CH


def _sc_adj_body(ei_hbm, s2_hbm, ei_v, s_v):
    wid = lax.axis_index("s") * 2 + lax.axis_index("c")
    gbase = wid * GPW
    zeros16 = jnp.zeros((16,), F32)
    ones16 = jnp.ones((16,), F32)
    m6 = lax.iota(jnp.int32, 16) < 6

    def chunk_body(ci, carry):
        cbase = gbase + ci * CH
        pltpu.sync_copy(ei_hbm.at[pl.ds(cbase * ROW, CH * ROW + 16)], ei_v)

        def zbody(i, c):
            s_v[pl.ds(i * 16, 16)] = zeros16
            return c
        lax.fori_loop(0, CH * SBIN // 16, zbody, 0)

        def gbody(g, c):
            ro = g * ROW
            gb = g * SBIN
            for off in (0, 16, 32):
                srcv = ei_v[pl.ds(ro + off, 16)]
                dstv = ei_v[pl.ds(ro + E + off, 16)]
                k = gb + srcv * N + dstv
                if off == 32:
                    plsc.addupdate_scatter(s_v, [k], ones16, mask=m6)
                else:
                    plsc.addupdate_scatter(s_v, [k], ones16)
            return c
        lax.fori_loop(0, CH, gbody, 0)
        pltpu.sync_copy(s_v, s2_hbm.at[pl.ds(cbase * SBIN, CH * SBIN)])
        return carry

    lax.fori_loop(0, NCHUNK, chunk_body, 0)


def _sc_adjacency(ei_flat_padded):
    mesh = plsc.VectorSubcoreMesh(core_axis_name="c", subcore_axis_name="s")
    f = pl.kernel(
        _sc_adj_body,
        out_type=jax.ShapeDtypeStruct((G * SBIN,), F32),
        mesh=mesh,
        scratch_types=[
            pltpu.VMEM((CH * ROW + 16,), jnp.int32),
            pltpu.VMEM((CH * SBIN,), F32),
        ],
        compiler_params=pltpu.CompilerParams(needs_layout_passes=False),
    )
    return f(ei_flat_padded)



def _k1_body(s2_ref, x_ref, w_ref, b_ref, r_ref, out_ref):
    s2b = s2_ref[...].astype(BF)
    rmat = r_ref[...]
    se = [
        jnp.dot(s2b[:, N * j:N * (j + 1)], rmat, preferred_element_type=F32)
        for j in range(N)
    ]
    h = x_ref[...]
    for l in range(3):
        z = h
        for j in range(N):
            z = z + se[j] * jnp.tile(h[:, H * j:H * (j + 1)], (1, N))
        y = jnp.maximum(jnp.dot(z, w_ref[2 * l]) + b_ref[2 * l], 0.0)
        y = jnp.dot(y, w_ref[2 * l + 1]) + b_ref[2 * l + 1]
        h = jnp.maximum(y, 0.0) if l < 2 else y
    out_ref[...] = h


def _k2_body(h_ref, w_ref, bias_ref, o_ref):
    h = h_ref[...]
    z = h + jnp.concatenate([jnp.zeros((1, C), F32), h[:-1, :]], axis=0)
    y = jnp.maximum(jnp.dot(z, w_ref[0:C, :H]) + bias_ref[0:1, :H], 0.0)
    y = jnp.dot(y, w_ref[C:C + H, :H]) + bias_ref[1:2, :H]
    h1 = jnp.maximum(y, 0.0)
    z1 = h1 + jnp.concatenate([jnp.zeros((1, H), F32), h1[:-1, :]], axis=0)
    y = jnp.maximum(jnp.dot(z1, w_ref[C + H:C + 2 * H, :H])
                    + bias_ref[2:3, :H], 0.0)
    y = jnp.dot(y, w_ref[C + 2 * H:C + 3 * H, :H]) + bias_ref[3:4, :H]
    o_ref[...] = y


def _bn(z, g, b):
    mu = jnp.mean(z, axis=0)
    var = jnp.var(z, axis=0)
    return (z - mu) / jnp.sqrt(var + 1e-5) * g + b


def _k3_body(h_ref, f1_ref, w3_ref, aux_ref, y1_ref, y2_ref, y3_ref):
    y = jnp.dot(h_ref[...], f1_ref[...]) + aux_ref[0:1, :]
    y = jnp.maximum(_bn(y, aux_ref[1:2, :], aux_ref[2:3, :]), 0.0)
    y = jnp.dot(y, w3_ref[0:64, :H]) + aux_ref[5:6, :H]
    y = _bn(y, aux_ref[3:4, :H], aux_ref[4:5, :H])
    yr = jnp.maximum(y, 0.0)
    y1_ref[...] = jnp.dot(yr, w3_ref[64:80, 0:3]) + aux_ref[6:7, 0:3]
    y2_ref[...] = jnp.dot(yr, w3_ref[64:80, 3:6]) + aux_ref[7:8, 0:3]
    y3_ref[...] = jnp.dot(yr, w3_ref[64:80, 6:16]) + aux_ref[8:9, 0:10]


def kernel(x, edge_index, edge_attr, params):
    del edge_attr

    xp = jnp.pad(x.astype(F32), ((0, 0), (0, 0), (0, 0), (0, H - 2)))
    x2 = xp.reshape(G, C)
    ei_flat = jnp.pad(edge_index.astype(jnp.int32).reshape(-1), (0, 16))
    s2 = _sc_adjacency(ei_flat).reshape(G, SBIN)

    eyeN = jnp.eye(N, dtype=F32)
    rmat = jnp.repeat(eyeN, H, axis=1).astype(BF)

    wbd, bts = [], []
    for l in range(3):
        w1 = params['kp%d_W1' % l]
        if w1.shape[0] < H:
            w1 = jnp.pad(w1, ((0, H - w1.shape[0]), (0, 0)))
        wbd.append(jnp.kron(eyeN, w1.astype(F32)))
        wbd.append(jnp.kron(eyeN, params['kp%d_W2' % l].astype(F32)))
        bts.append(jnp.tile(params['kp%d_b1' % l].astype(F32), N))
        bts.append(jnp.tile(params['kp%d_b2' % l].astype(F32), N))
    wstack = jnp.stack(wbd)
    bstack = jnp.stack(bts)

    nblk = G // GB
    h_frames = pl.pallas_call(
        _k1_body,
        grid=(nblk,),
        in_specs=[
            pl.BlockSpec((GB, SBIN), lambda i: (i, 0)),
            pl.BlockSpec((GB, C), lambda i: (i, 0)),
            pl.BlockSpec((6, C, C), lambda i: (0, 0, 0)),
            pl.BlockSpec((6, C), lambda i: (0, 0)),
            pl.BlockSpec((N, C), lambda i: (0, 0)),
        ],
        out_specs=pl.BlockSpec((GB, C), lambda i: (i, 0)),
        out_shape=jax.ShapeDtypeStruct((G, C), F32),
    )(s2, x2, wstack, bstack, rmat)

    pad16 = lambda w: jnp.pad(w.astype(F32), ((0, 0), (0, C - w.shape[1])))
    brow = lambda b: jnp.pad(b.astype(F32), (0, C - b.shape[0]))[None, :]
    w2w = jnp.concatenate([
        pad16(params['tm0_W1']), pad16(params['tm0_W2']),
        pad16(params['tm1_W1']), pad16(params['tm1_W2']),
    ], axis=0)
    b2pack = jnp.concatenate([
        brow(params['tm0_b1']), brow(params['tm0_b2']),
        brow(params['tm1_b1']), brow(params['tm1_b2']),
    ], axis=0)

    ht = pl.pallas_call(
        _k2_body,
        grid=(B,),
        in_specs=[
            pl.BlockSpec((T, C), lambda b: (b, 0)),
            pl.BlockSpec(w2w.shape, lambda b: (0, 0)),
            pl.BlockSpec((4, C), lambda b: (0, 0)),
        ],
        out_specs=pl.BlockSpec((T, H), lambda b: (b, 0)),
        out_shape=jax.ShapeDtypeStruct((B * T, H), F32),
    )(h_frames.reshape(B * T, C), w2w, b2pack)

    hflat = ht.reshape(B, H * T)
    heads_w = jnp.concatenate([params['int_W'].astype(F32),
                               params['att_W'].astype(F32),
                               params['act_W'].astype(F32)], axis=1)
    w3 = jnp.concatenate([
        jnp.pad(params['fc2_W'].astype(F32), ((0, 0), (0, 64 - H))),
        jnp.pad(heads_w, ((0, 0), (0, 64 - H))),
    ], axis=0)
    pad64 = lambda a: jnp.pad(a.astype(F32), (0, 64 - a.shape[0]))[None, :]
    aux = jnp.concatenate([
        pad64(params['fc1_b']), pad64(params['bn1_g']), pad64(params['bn1_b']),
        pad64(params['bn2_g']), pad64(params['bn2_b']), pad64(params['fc2_b']),
        pad64(params['int_b']), pad64(params['att_b']), pad64(params['act_b']),
    ], axis=0)

    y1, y2, y3 = pl.pallas_call(
        _k3_body,
        in_specs=[
            pl.BlockSpec((B, H * T), lambda: (0, 0)),
            pl.BlockSpec((H * T, 64), lambda: (0, 0)),
            pl.BlockSpec((80, 64), lambda: (0, 0)),
            pl.BlockSpec((9, 64), lambda: (0, 0)),
        ],
        out_specs=[
            pl.BlockSpec((B, 3), lambda: (0, 0)),
            pl.BlockSpec((B, 3), lambda: (0, 0)),
            pl.BlockSpec((B, 10), lambda: (0, 0)),
        ],
        out_shape=[
            jax.ShapeDtypeStruct((B, 3), F32),
            jax.ShapeDtypeStruct((B, 3), F32),
            jax.ShapeDtypeStruct((B, 10), F32),
        ],
    )(hflat, params['fc1_W'].astype(F32), w3, aux)
    return (y1, y2, y3)

# --- scband reference (transcript-rebuilt; emitter-appended) ---
"""Pipeline reference for scband-gnn-82068235092795 (READ-ONLY COPY).

The authoritative reference and input builder live on the scoring server;
editing this copy changes nothing except your own understanding.
"""

import jax, jax.numpy as jnp
import numpy as np

B = 128
T = 256
N_KP = 17
E = 38
HID = 16


def _lin(key, din, dout):
    k1, k2 = jax.random.split(key)
    bound = 1.0 / np.sqrt(din)
    W = jax.random.uniform(k1, (din, dout), minval=-bound, maxval=bound, dtype=jnp.float32)
    b = jax.random.uniform(k2, (dout,), minval=-bound, maxval=bound, dtype=jnp.float32)
    return W, b


def _init_params(key):
    params = {}
    keys = jax.random.split(key, 32)
    ki = 0
    # GIN_keypoints: 3 GINConv layers, each MLP Linear(din,do)->ReLU->Linear(do,do)
    for i, (di, do) in enumerate([(2, HID), (HID, HID), (HID, HID)]):
        params['kp%d_W1' % i], params['kp%d_b1' % i] = _lin(keys[ki], di, do); ki += 1
        params['kp%d_W2' % i], params['kp%d_b2' % i] = _lin(keys[ki], do, do); ki += 1
    # GCN_time: GIN with 2 layers, in_channels = 16 * 34 / 2 = 272
    for i, (di, do) in enumerate([(N_KP * HID, HID), (HID, HID)]):
        params['tm%d_W1' % i], params['tm%d_b1' % i] = _lin(keys[ki], di, do); ki += 1
        params['tm%d_W2' % i], params['tm%d_b2' % i] = _lin(keys[ki], do, do); ki += 1
    params['fc1_W'], params['fc1_b'] = _lin(keys[ki], HID * T, 64); ki += 1
    params['bn1_g'] = jnp.ones((64,), jnp.float32)
    params['bn1_b'] = jnp.zeros((64,), jnp.float32)
    params['fc2_W'], params['fc2_b'] = _lin(keys[ki], 64, 16); ki += 1
    params['bn2_g'] = jnp.ones((16,), jnp.float32)
    params['bn2_b'] = jnp.zeros((16,), jnp.float32)
    params['int_W'], params['int_b'] = _lin(keys[ki], 16, 3); ki += 1
    params['att_W'], params['att_b'] = _lin(keys[ki], 16, 3); ki += 1
    params['act_W'], params['act_b'] = _lin(keys[ki], 16, 10); ki += 1
    return params


def setup_inputs(seed: int = 0):
    key = jax.random.key(seed)
    k1, k2, k3, k4 = jax.random.split(key, 4)
    x = jax.random.normal(k1, (B, T, N_KP, 2), dtype=jnp.float32)
    edge_index = jax.random.randint(k2, (B, T, 2, E), 0, N_KP)
    edge_attr = jax.random.normal(k3, (B, T, E, 1), dtype=jnp.float32)
    params = _init_params(k4)
    return {'x': x, 'edge_index': edge_index, 'edge_attr': edge_attr, 'params': params}


def _gin_layer(h, src, dst, W1, b1, W2, b2, n):
    # GINConv (eps=0): MLP(x + sum_{j->i} x_j); sum-aggregation = scatter-add
    agg = jax.ops.segment_sum(h[src], dst, num_segments=n)
    z = agg + h
    return jnp.maximum(z @ W1 + b1, 0.0) @ W2 + b2


def _bn(z, g, b):
    # BatchNorm1d in training mode (batch statistics)
    mu = jnp.mean(z, axis=0)
    var = jnp.var(z, axis=0)
    return (z - mu) / jnp.sqrt(var + 1e-5) * g + b


def _forward(x, edge_index, edge_attr, params):
    def gin_kp(xf, ei):
        src, dst = ei[0], ei[1]
        h = xf
        for i in range(3):
            h = _gin_layer(h, src, dst,
                           params['kp%d_W1' % i], params['kp%d_b1' % i],
                           params['kp%d_W2' % i], params['kp%d_b2' % i], N_KP)
            if i < 2:
                h = jnp.maximum(h, 0.0)
        return h
    # per-(batch, frame) GIN over 17-node skeleton graphs (pooling disabled => ratio 1)
    x_time = jax.vmap(jax.vmap(gin_kp))(x, edge_index)
    x_time = x_time.reshape(B, T, N_KP * HID)
    # temporal chain graph: edges i -> i+1
    tsrc = jnp.arange(T - 1)
    tdst = jnp.arange(1, T)
    def gin_time(ht):
        h = ht
        for i in range(2):
            h = _gin_layer(h, tsrc, tdst,
                           params['tm%d_W1' % i], params['tm%d_b1' % i],
                           params['tm%d_W2' % i], params['tm%d_b2' % i], T)
            if i < 1:
                h = jnp.maximum(h, 0.0)
        return h
    h = jax.vmap(gin_time)(x_time)
    h = h.reshape(B, HID * T)
    y = h @ params['fc1_W'] + params['fc1_b']
    y = jnp.maximum(_bn(y, params['bn1_g'], params['bn1_b']), 0.0)
    y = y @ params['fc2_W'] + params['fc2_b']
    y = _bn(y, params['bn2_g'], params['bn2_b'])
    yr = jnp.maximum(y, 0.0)
    y1 = yr @ params['int_W'] + params['int_b']
    y2 = yr @ params['att_W'] + params['att_b']
    y3 = yr @ params['act_W'] + params['act_b']
    return (y1, y2, y3)


def reference(x, edge_index, edge_attr, params):
    return _forward(x, edge_index, edge_attr, params)

if __name__ == "__main__":
    import jax
    _d = setup_inputs()
    print(jax.jit(kernel)(*tuple(_d.values())))

</pallas_src>

<mosaic_0001>
#map = affine_map<(d0, d1) -> (0)>
module attributes {stable_mosaic.version = 14 : i64} {
  func.func @_sc_adj_body(%arg0: i32, %arg1: i32, %arg2: memref<2490384xi32, #tpu.memory_space<hbm>>, %arg3: memref<9961472xf32, #tpu.memory_space<hbm>>, %arg4: memref<4880xi32, #tpu.memory_space<vmem>>, %arg5: memref<19456xf32, #tpu.memory_space<vmem>>) attributes {dimension_semantics = [#tpu.dimension_semantics<core_parallel>, #tpu.dimension_semantics<subcore_parallel>], iteration_bounds = array<i64: 2, 16>, scalar_prefetch = 0 : i64, scratch_operands = 2 : i64, tpu.core_type = #tpu.core_type<sc_vector_subcore>, window_params = [{transform_indices = #map}, {transform_indices = #map}]} {
    %mul3A = arith.constant 2 : i32
    %mul3A_0 = arith.muli %arg1, %mul3A : i32
    %add3A = arith.addi %mul3A_0, %arg0 : i32
    %mul3A_1 = arith.constant 1024 : i32
    %mul3A_2 = arith.muli %add3A, %mul3A_1 : i32
    %broadcast_in_dim3A = arith.constant 0.000000e+00 : f32
    %broadcast_in_dim3A_3 = vector.broadcast %broadcast_in_dim3A : f32 to vector<16xf32>
    %broadcast_in_dim3A_4 = arith.constant 1.000000e+00 : f32
    %broadcast_in_dim3A_5 = vector.broadcast %broadcast_in_dim3A_4 : f32 to vector<16xf32>
    %iota3A = tpu.iota {dimensions = array<i32: 0>} : vector<16xi32>
    %lt3A = arith.constant 6 : i32
    %lt3A_6 = vector.broadcast %lt3A : i32 to vector<16xi32>
    %lt3A_7 = arith.cmpi slt, %iota3A, %lt3A_6 : vector<16xi32>
    %scan3A = arith.constant 0 : i32
    %scan3A_8 = arith.constant 0 : i32
    %scan3A_9 = arith.constant 16 : i32
    %scan3A_10 = arith.addi %scan3A_8, %scan3A_9 : i32
    %scan3A_11 = arith.constant 1 : i32
    scf.for %scan3A_13 = %scan3A_8 to %scan3A_10 step %scan3A_11  : i32 {
      %mul3A_14 = arith.constant 64 : i32
      %mul3A_15 = arith.muli %scan3A_13, %mul3A_14 : i32
      %add3A_16 = arith.addi %mul3A_2, %mul3A_15 : i32
      %mul3A_17 = arith.constant 76 : i32
      %mul3A_18 = arith.muli %add3A_16, %mul3A_17 : i32
      "tpu.region"() ({
        %run_scoped3A = tpu.sem_alloc : memref<!tpu.dma_semaphore, #tpu.memory_space<semaphore_mem>>
        %dma_start3A = tpu.memref_slice %arg2[%mul3A_18] : memref<2490384xi32, #tpu.memory_space<hbm>> -> memref<4880xi32, #tpu.memory_space<hbm>>
        %dma_start3A_33 = tpu.memref_slice %arg2[%mul3A_18] : memref<2490384xi32, #tpu.memory_space<hbm>> -> memref<4880xi32, #tpu.memory_space<hbm>>
        tpu.enqueue_dma source(%dma_start3A_33 : memref<4880xi32, #tpu.memory_space<hbm>>) target(%arg4 : memref<4880xi32, #tpu.memory_space<vmem>>) target_semaphore(%run_scoped3A : memref<!tpu.dma_semaphore, #tpu.memory_space<semaphore_mem>>)
        %dma_wait3A = tpu.memref_slice %arg2[%mul3A_18] : memref<2490384xi32, #tpu.memory_space<hbm>> -> memref<4880xi32, #tpu.memory_space<hbm>>
        %dma_wait3A_34 = tpu.memref_slice %arg2[%mul3A_18] : memref<2490384xi32, #tpu.memory_space<hbm>> -> memref<4880xi32, #tpu.memory_space<hbm>>
        tpu.wait_dma2 semaphore(%run_scoped3A : memref<!tpu.dma_semaphore, #tpu.memory_space<semaphore_mem>>) src(%dma_wait3A_34 : memref<4880xi32, #tpu.memory_space<hbm>>) dst(%arg4 : memref<4880xi32, #tpu.memory_space<vmem>>)
        tpu.yield
      }) : () -> ()
      %scan3A_19 = arith.constant 0 : i32
      %scan3A_20 = arith.constant 0 : i32
      %scan3A_21 = arith.constant 1216 : i32
      %scan3A_22 = arith.addi %scan3A_20, %scan3A_21 : i32
      %scan3A_23 = arith.constant 1 : i32
      scf.for %scan3A_33 = %scan3A_20 to %scan3A_22 step %scan3A_23  : i32 {
        %mul3A_34 = arith.constant 16 : i32
        %mul3A_35 = arith.muli %scan3A_33, %mul3A_34 : i32
        %swap3A = arith.index_cast %mul3A_35 : i32 to index
        %swap3A_36 = tpu.vector_load %arg5[%swap3A] {strides = array<i32>} : memref<19456xf32, #tpu.memory_space<vmem>>, vector<16xf32>,
        tpu.vector_store %arg5[%swap3A], %broadcast_in_dim3A_3 {strides = array<i32>} : memref<19456xf32, #tpu.memory_space<vmem>>, vector<16xf32>,
      }
      %scan3A_24 = arith.constant 1216 : i32
      %scan3A_25 = arith.constant 0 : i32
      %scan3A_26 = arith.constant 0 : i32
      %scan3A_27 = arith.constant 64 : i32
      %scan3A_28 = arith.addi %scan3A_26, %scan3A_27 : i32
      %scan3A_29 = arith.constant 1 : i32
      scf.for %scan3A_33 = %scan3A_26 to %scan3A_28 step %scan3A_29  : i32 {
        %mul3A_34 = arith.constant 76 : i32
        %mul3A_35 = arith.muli %scan3A_33, %mul3A_34 : i32
        %mul3A_36 = arith.constant 304 : i32
        %mul3A_37 = arith.muli %scan3A_33, %mul3A_36 : i32
        %add3A_38 = arith.constant 0 : i32
        %add3A_39 = arith.addi %mul3A_35, %add3A_38 : i32
        %get3A = arith.index_cast %add3A_39 : i32 to index
        %get3A_40 = tpu.vector_load %arg4[%get3A] {strides = array<i32>} : memref<4880xi32, #tpu.memory_space<vmem>>, vector<16xi32>,
        %add3A_41 = arith.constant 38 : i32
        %add3A_42 = arith.addi %mul3A_35, %add3A_41 : i32
        %add3A_43 = arith.constant 0 : i32
        %add3A_44 = arith.addi %add3A_42, %add3A_43 : i32
        %get3A_45 = arith.index_cast %add3A_44 : i32 to index
        %get3A_46 = tpu.vector_load %arg4[%get3A_45] {strides = array<i32>} : memref<4880xi32, #tpu.memory_space<vmem>>, vector<16xi32>,
        %mul3A_47 = arith.constant 17 : i32
        %mul3A_48 = vector.broadcast %mul3A_47 : i32 to vector<16xi32>
        %mul3A_49 = arith.muli %get3A_40, %mul3A_48 : vector<16xi32>
        %add3A_50 = vector.broadcast %mul3A_37 : i32 to vector<16xi32>
        %add3A_51 = arith.addi %add3A_50, %mul3A_49 : vector<16xi32>
        %add3A_52 = arith.addi %add3A_51, %get3A_46 : vector<16xi32>
        tpu.vector_store_idx %arg5[%add3A_52], %broadcast_in_dim3A_5 {add = true} : memref<19456xf32, #tpu.memory_space<vmem>>[vector<16xi32>], vector<16xf32>,
        %add3A_53 = arith.constant 16 : i32
        %add3A_54 = arith.addi %mul3A_35, %add3A_53 : i32
        %get3A_55 = arith.index_cast %add3A_54 : i32 to index
        %get3A_56 = tpu.vector_load %arg4[%get3A_55] {strides = array<i32>} : memref<4880xi32, #tpu.memory_space<vmem>>, vector<16xi32>,
        %add3A_57 = arith.constant 38 : i32
        %add3A_58 = arith.addi %mul3A_35, %add3A_57 : i32
        %add3A_59 = arith.constant 16 : i32
        %add3A_60 = arith.addi %add3A_58, %add3A_59 : i32
        %get3A_61 = arith.index_cast %add3A_60 : i32 to index
        %get3A_62 = tpu.vector_load %arg4[%get3A_61] {strides = array<i32>} : memref<4880xi32, #tpu.memory_space<vmem>>, vector<16xi32>,
        %mul3A_63 = arith.constant 17 : i32
        %mul3A_64 = vector.broadcast %mul3A_63 : i32 to vector<16xi32>
        %mul3A_65 = arith.muli %get3A_56, %mul3A_64 : vector<16xi32>
        %add3A_66 = vector.broadcast %mul3A_37 : i32 to vector<16xi32>
        %add3A_67 = arith.addi %add3A_66, %mul3A_65 : vector<16xi32>
        %add3A_68 = arith.addi %add3A_67, %get3A_62 : vector<16xi32>
        tpu.vector_store_idx %arg5[%add3A_68], %broadcast_in_dim3A_5 {add = true} : memref<19456xf32, #tpu.memory_space<vmem>>[vector<16xi32>], vector<16xf32>,
        %add3A_69 = arith.constant 32 : i32
        %add3A_70 = arith.addi %mul3A_35, %add3A_69 : i32
        %get3A_71 = arith.index_cast %add3A_70 : i32 to index
        %get3A_72 = tpu.vector_load %arg4[%get3A_71] {strides = array<i32>} : memref<4880xi32, #tpu.memory_space<vmem>>, vector<16xi32>,
        %add3A_73 = arith.constant 38 : i32
        %add3A_74 = arith.addi %mul3A_35, %add3A_73 : i32
        %add3A_75 = arith.constant 32 : i32
        %add3A_76 = arith.addi %add3A_74, %add3A_75 : i32
        %get3A_77 = arith.index_cast %add3A_76 : i32 to index
        %get3A_78 = tpu.vector_load %arg4[%get3A_77] {strides = array<i32>} : memref<4880xi32, #tpu.memory_space<vmem>>, vector<16xi32>,
        %mul3A_79 = arith.constant 17 : i32
        %mul3A_80 = vector.broadcast %mul3A_79 : i32 to vector<16xi32>
        %mul3A_81 = arith.muli %get3A_72, %mul3A_80 : vector<16xi32>
        %add3A_82 = vector.broadcast %mul3A_37 : i32 to vector<16xi32>
        %add3A_83 = arith.addi %add3A_82, %mul3A_81 : vector<16xi32>
        %add3A_84 = arith.addi %add3A_83, %get3A_78 : vector<16xi32>
        tpu.vector_store_idx %arg5[%add3A_84], %broadcast_in_dim3A_5 masked %lt3A_7 {add = true} : memref<19456xf32, #tpu.memory_space<vmem>>[vector<16xi32>], vector<16xf32>, vector<16xi1>
      }
      %scan3A_30 = arith.constant 64 : i32
      %mul3A_31 = arith.constant 304 : i32
      %mul3A_32 = arith.muli %add3A_16, %mul3A_31 : i32
      "tpu.region"() ({
        %run_scoped3A = tpu.sem_alloc : memref<!tpu.dma_semaphore, #tpu.memory_space<semaphore_mem>>
        %dma_start3A = tpu.memref_slice %arg3[%mul3A_32] : memref<9961472xf32, #tpu.memory_space<hbm>> -> memref<19456xf32, #tpu.memory_space<hbm>>
        %dma_start3A_33 = tpu.memref_slice %arg3[%mul3A_32] : memref<9961472xf32, #tpu.memory_space<hbm>> -> memref<19456xf32, #tpu.memory_space<hbm>>
        tpu.enqueue_dma source(%arg5 : memref<19456xf32, #tpu.memory_space<vmem>>) target(%dma_start3A_33 : memref<19456xf32, #tpu.memory_space<hbm>>) target_semaphore(%run_scoped3A : memref<!tpu.dma_semaphore, #tpu.memory_space<semaphore_mem>>)
        %dma_wait3A = tpu.memref_slice %arg3[%mul3A_32] : memref<9961472xf32, #tpu.memory_space<hbm>> -> memref<19456xf32, #tpu.memory_space<hbm>>
        %dma_wait3A_34 = tpu.memref_slice %arg3[%mul3A_32] : memref<9961472xf32, #tpu.memory_space<hbm>> -> memref<19456xf32, #tpu.memory_space<hbm>>
        tpu.wait_dma2 semaphore(%run_scoped3A : memref<!tpu.dma_semaphore, #tpu.memory_space<semaphore_mem>>) src(%arg5 : memref<19456xf32, #tpu.memory_space<vmem>>) dst(%dma_wait3A_34 : memref<19456xf32, #tpu.memory_space<hbm>>)
        tpu.yield
      }) : () -> ()
    }
    %scan3A_12 = arith.constant 16 : i32
    return
  }
}

module attributes {stable_mosaic.version = 14 : i64} {
  func.func @_k1_body(%arg0: i32, %arg1: memref<256x304xf32, #tpu.memory_space<vmem>>, %arg2: memref<256x272xf32, #tpu.memory_space<vmem>>, %arg3: memref<6x272x272xf32, #tpu.memory_space<vmem>>, %arg4: memref<6x272xf32, #tpu.memory_space<vmem>>, %arg5: memref<17x272xbf16, #tpu.memory_space<vmem>>, %arg6: memref<256x272xf32, #tpu.memory_space<vmem>>) attributes {dimension_semantics = [#tpu.dimension_semantics<arbitrary>], iteration_bounds = array<i64: 128>, scalar_prefetch = 0 : i64, scratch_operands = 0 : i64, tpu.core_type = #tpu.core_type<tc>, window_params = [{transform_indices = @transform_0, window_bounds = array<i64: 256, 304>}, {transform_indices = @transform_1, window_bounds = array<i64: 256, 272>}, {pipeline_mode = #tpu.pipeline_mode<synchronous>, transform_indices = @transform_2, window_bounds = array<i64: 6, 272, 272>}, {pipeline_mode = #tpu.pipeline_mode<synchronous>, transform_indices = @transform_3, window_bounds = array<i64: 6, 272>}, {pipeline_mode = #tpu.pipeline_mode<synchronous>, transform_indices = @transform_4, window_bounds = array<i64: 17, 272>}, {transform_indices = @transform_5, window_bounds = array<i64: 256, 272>}]} {
    %get3A = arith.constant 0 : index
    %get3A_0 = arith.constant 0 : index
    %get3A_1 = vector.load %arg1[%get3A, %get3A_0] : memref<256x304xf32, #tpu.memory_space<vmem>>, vector<256x304xf32>
    %convert_element_type3A = arith.truncf %get3A_1 : vector<256x304xf32> to vector<256x304xbf16>
    %get3A_2 = arith.constant 0 : index
    %get3A_3 = arith.constant 0 : index
    %get3A_4 = vector.load %arg5[%get3A_2, %get3A_3] : memref<17x272xbf16, #tpu.memory_space<vmem>>, vector<17x272xbf16>
    %slice3A = vector.extract_strided_slice %convert_element_type3A {offsets = [0, 0], sizes = [256, 17], strides = [1, 1]} : vector<256x304xbf16> to vector<256x17xbf16>
    %dot_general3A = arith.constant dense<0.000000e+00> : vector<256x272xf32>
    %dot_general3A_5 = tpu.matmul %slice3A, %get3A_4, %dot_general3A {dimension_numbers = #tpu.dot_dimension_numbers<[1], [0], [0], [1], [0, 0, 1, 1], [], []>, transpose_lhs_hint = false} : vector<256x17xbf16>, vector<17x272xbf16>, vector<256x272xf32> -> vector<256x272xf32>
    %slice3A_6 = vector.extract_strided_slice %convert_element_type3A {offsets = [0, 17], sizes = [256, 17], strides = [1, 1]} : vector<256x304xbf16> to vector<256x17xbf16>
    %dot_general3A_7 = arith.constant dense<0.000000e+00> : vector<256x272xf32>
    %dot_general3A_8 = tpu.matmul %slice3A_6, %get3A_4, %dot_general3A_7 {dimension_numbers = #tpu.dot_dimension_numbers<[1], [0], [0], [1], [0, 0, 1, 1], [], []>, transpose_lhs_hint = false} : vector<256x17xbf16>, vector<17x272xbf16>, vector<256x272xf32> -> vector<256x272xf32>
    %slice3A_9 = vector.extract_strided_slice %convert_element_type3A {offsets = [0, 34], sizes = [256, 17], strides = [1, 1]} : vector<256x304xbf16> to vector<256x17xbf16>
    %dot_general3A_10 = arith.constant dense<0.000000e+00> : vector<256x272xf32>
    %dot_general3A_11 = tpu.matmul %slice3A_9, %get3A_4, %dot_general3A_10 {dimension_numbers = #tpu.dot_dimension_numbers<[1], [0], [0], [1], [0, 0, 1, 1], [], []>, transpose_lhs_hint = false} : vector<256x17xbf16>, vector<17x272xbf16>, vector<256x272xf32> -> vector<256x272xf32>
    %slice3A_12 = vector.extract_strided_slice %convert_element_type3A {offsets = [0, 51], sizes = [256, 17], strides = [1, 1]} : vector<256x304xbf16> to vector<256x17xbf16>
    %dot_general3A_13 = arith.constant dense<0.000000e+00> : vector<256x272xf32>
    %dot_general3A_14 = tpu.matmul %slice3A_12, %get3A_4, %dot_general3A_13 {dimension_numbers = #tpu.dot_dimension_numbers<[1], [0], [0], [1], [0, 0, 1, 1], [], []>, transpose_lhs_hint = false} : vector<256x17xbf16>, vector<17x272xbf16>, vector<256x272xf32> -> vector<256x272xf32>
    %slice3A_15 = vector.extract_strided_slice %convert_element_type3A {offsets = [0, 68], sizes = [256, 17], strides = [1, 1]} : vector<256x304xbf16> to vector<256x17xbf16>
    %dot_general3A_16 = arith.constant dense<0.000000e+00> : vector<256x272xf32>
    %dot_general3A_17 = tpu.matmul %slice3A_15, %get3A_4, %dot_general3A_16 {dimension_numbers = #tpu.dot_dimension_numbers<[1], [0], [0], [1], [0, 0, 1, 1], [], []>, transpose_lhs_hint = false} : vector<256x17xbf16>, vector<17x272xbf16>, vector<256x272xf32> -> vector<256x272xf32>
    %slice3A_18 = vector.extract_strided_slice %convert_element_type3A {offsets = [0, 85], sizes = [256, 17], strides = [1, 1]} : vector<256x304xbf16> to vector<256x17xbf16>
    %dot_general3A_19 = arith.constant dense<0.000000e+00> : vector<256x272xf32>
    %dot_general3A_20 = tpu.matmul %slice3A_18, %get3A_4, %dot_general3A_19 {dimension_numbers = #tpu.dot_dimension_numbers<[1], [0], [0], [1], [0, 0, 1, 1], [], []>, transpose_lhs_hint = false} : vector<256x17xbf16>, vector<17x272xbf16>, vector<256x272xf32> -> vector<256x272xf32>
    %slice3A_21 = vector.extract_strided_slice %convert_element_type3A {offsets = [0, 102], sizes = [256, 17], strides = [1, 1]} : vector<256x304xbf16> to vector<256x17xbf16>
    %dot_general3A_22 = arith.constant dense<0.000000e+00> : vector<256x272xf32>
    %dot_general3A_23 = tpu.matmul %slice3A_21, %get3A_4, %dot_general3A_22 {dimension_numbers = #tpu.dot_dimension_numbers<[1], [0], [0], [1], [0, 0, 1, 1], [], []>, transpose_lhs_hint = false} : vector<256x17xbf16>, vector<17x272xbf16>, vector<256x272xf32> -> vector<256x272xf32>
    %slice3A_24 = vector.extract_strided_slice %convert_element_type3A {offsets = [0, 119], sizes = [256, 17], strides = [1, 1]} : vector<256x304xbf16> to vector<256x17xbf16>
    %dot_general3A_25 = arith.constant dense<0.000000e+00> : vector<256x272xf32>
    %dot_general3A_26 = tpu.matmul %slice3A_24, %get3A_4, %dot_general3A_25 {dimension_numbers = #tpu.dot_dimension_numbers<[1], [0], [0], [1], [0, 0, 1, 1], [], []>, transpose_lhs_hint = false} : vector<256x17xbf16>, vector<17x272xbf16>, vector<256x272xf32> -> vector<256x272xf32>
    %slice3A_27 = vector.extract_strided_slice %convert_element_type3A {offsets = [0, 136], sizes = [256, 17], strides = [1, 1]} : vector<256x304xbf16> to vector<256x17xbf16>
    %dot_general3A_28 = arith.constant dense<0.000000e+00> : vector<256x272xf32>
    %dot_general3A_29 = tpu.matmul %slice3A_27, %get3A_4, %dot_general3A_28 {dimension_numbers = #tpu.dot_dimension_numbers<[1], [0], [0], [1], [0, 0, 1, 1], [], []>, transpose_lhs_hint = false} : vector<256x17xbf16>, vector<17x272xbf16>, vector<256x272xf32> -> vector<256x272xf32>
    %slice3A_30 = vector.extract_strided_slice %convert_element_type3A {offsets = [0, 153], sizes = [256, 17], strides = [1, 1]} : vector<256x304xbf16> to vector<256x17xbf16>
    %dot_general3A_31 = arith.constant dense<0.000000e+00> : vector<256x272xf32>
    %dot_general3A_32 = tpu.matmul %slice3A_30, %get3A_4, %dot_general3A_31 {dimension_numbers = #tpu.dot_dimension_numbers<[1], [0], [0], [1], [0, 0, 1, 1], [], []>, transpose_lhs_hint = false} : vector<256x17xbf16>, vector<17x272xbf16>, vector<256x272xf32> -> vector<256x272xf32>
    %slice3A_33 = vector.extract_strided_slice %convert_element_type3A {offsets = [0, 170], sizes = [256, 17], strides = [1, 1]} : vector<256x304xbf16> to vector<256x17xbf16>
    %dot_general3A_34 = arith.constant dense<0.000000e+00> : vector<256x272xf32>
    %dot_general3A_35 = tpu.matmul %slice3A_33, %get3A_4, %dot_general3A_34 {dimension_numbers = #tpu.dot_dimension_numbers<[1], [0], [0], [1], [0, 0, 1, 1], [], []>, transpose_lhs_hint = false} : vector<256x17xbf16>, vector<17x272xbf16>, vector<256x272xf32> -> vector<256x272xf32>
    %slice3A_36 = vector.extract_strided_slice %convert_element_type3A {offsets = [0, 187], sizes = [256, 17], strides = [1, 1]} : vector<256x304xbf16> to vector<256x17xbf16>
    %dot_general3A_37 = arith.constant dense<0.000000e+00> : vector<256x272xf32>
    %dot_general3A_38 = tpu.matmul %slice3A_36, %get3A_4, %dot_general3A_37 {dimension_numbers = #tpu.dot_dimension_numbers<[1], [0], [0], [1], [0, 0, 1, 1], [], []>, transpose_lhs_hint = false} : vector<256x17xbf16>, vector<17x272xbf16>, vector<256x272xf32> -> vector<256x272xf32>
    %slice3A_39 = vector.extract_strided_slice %convert_element_type3A {offsets = [0, 204], sizes = [256, 17], strides = [1, 1]} : vector<256x304xbf16> to vector<256x17xbf16>
    %dot_general3A_40 = arith.constant dense<0.000000e+00> : vector<256x272xf32>
    %dot_general3A_41 = tpu.matmul %slice3A_39, %get3A_4, %dot_general3A_40 {dimension_numbers = #tpu.dot_dimension_numbers<[1], [0], [0], [1], [0, 0, 1, 1], [], []>, transpose_lhs_hint = false} : vector<256x17xbf16>, vector<17x272xbf16>, vector<256x272xf32> -> vector<256x272xf32>
    %slice3A_42 = vector.extract_strided_slice %convert_element_type3A {offsets = [0, 221], sizes = [256, 17], strides = [1, 1]} : vector<256x304xbf16> to vector<256x17xbf16>
    %dot_general3A_43 = arith.constant dense<0.000000e+00> : vector<256x272xf32>
    %dot_general3A_44 = tpu.matmul %slice3A_42, %get3A_4, %dot_general3A_43 {dimension_numbers = #tpu.dot_dimension_numbers<[1], [0], [0], [1], [0, 0, 1, 1], [], []>, transpose_lhs_hint = false} : vector<256x17xbf16>, vector<17x272xbf16>, vector<256x272xf32> -> vector<256x272xf32>
    %slice3A_45 = vector.extract_strided_slice %convert_element_type3A {offsets = [0, 238], sizes = [256, 17], strides = [1, 1]} : vector<256x304xbf16> to vector<256x17xbf16>
    %dot_general3A_46 = arith.constant dense<0.000000e+00> : vector<256x272xf32>
    %dot_general3A_47 = tpu.matmul %slice3A_45, %get3A_4, %dot_general3A_46 {dimension_numbers = #tpu.dot_dimension_numbers<[1], [0], [0], [1], [0, 0, 1, 1], [], []>, transpose_lhs_hint = false} : vector<256x17xbf16>, vector<17x272xbf16>, vector<256x272xf32> -> vector<256x272xf32>
    %slice3A_48 = vector.extract_strided_slice %convert_element_type3A {offsets = [0, 255], sizes = [256, 17], strides = [1, 1]} : vector<256x304xbf16> to vector<256x17xbf16>
    %dot_general3A_49 = arith.constant dense<0.000000e+00> : vector<256x272xf32>
    %dot_general3A_50 = tpu.matmul %slice3A_48, %get3A_4, %dot_general3A_49 {dimension_numbers = #tpu.dot_dimension_numbers<[1], [0], [0], [1], [0, 0, 1, 1], [], []>, transpose_lhs_hint = false} : vector<256x17xbf16>, vector<17x272xbf16>, vector<256x272xf32> -> vector<256x272xf32>
    %slice3A_51 = vector.extract_strided_slice %convert_element_type3A {offsets = [0, 272], sizes = [256, 17], strides = [1, 1]} : vector<256x304xbf16> to vector<256x17xbf16>
    %dot_general3A_52 = arith.constant dense<0.000000e+00> : vector<256x272xf32>
    %dot_general3A_53 = tpu.matmul %slice3A_51, %get3A_4, %dot_general3A_52 {dimension_numbers = #tpu.dot_dimension_numbers<[1], [0], [0], [1], [0, 0, 1, 1], [], []>, transpose_lhs_hint = false} : vector<256x17xbf16>, vector<17x272xbf16>, vector<256x272xf32> -> vector<256x272xf32>
    %get3A_54 = arith.constant 0 : index
    %get3A_55 = arith.constant 0 : index
    %get3A_56 = vector.load %arg2[%get3A_54, %get3A_55] : memref<256x272xf32, #tpu.memory_space<vmem>>, vector<256x272xf32>
    %slice3A_57 = vector.extract_strided_slice %get3A_56 {offsets = [0, 0], sizes = [256, 16], strides = [1, 1]} : vector<256x272xf32> to vector<256x16xf32>
    %tile3A = tpu.concatenate %slice3A_57, %slice3A_57, %slice3A_57, %slice3A_57, %slice3A_57, %slice3A_57, %slice3A_57, %slice3A_57, %slice3A_57, %slice3A_57, %slice3A_57, %slice3A_57, %slice3A_57, %slice3A_57, %slice3A_57, %slice3A_57, %slice3A_57 in 1 : vector<256x16xf32>, vector<256x16xf32>, vector<256x16xf32>, vector<256x16xf32>, vector<256x16xf32>, vector<256x16xf32>, vector<256x16xf32>, vector<256x16xf32>, vector<256x16xf32>, vector<256x16xf32>, vector<256x16xf32>, vector<256x16xf32>, vector<256x16xf32>, vector<256x16xf32>, vector<256x16xf32>, vector<256x16xf32>, vector<256x16xf32> -> vector<256x272xf32>
    %mul3A = arith.mulf %dot_general3A_5, %tile3A : vector<256x272xf32>
    %add3A = arith.addf %get3A_56, %mul3A : vector<256x272xf32>
    %slice3A_58 = vector.extract_strided_slice %get3A_56 {offsets = [0, 16], sizes = [256, 16], strides = [1, 1]} : vector<256x272xf32> to vector<256x16xf32>
    %tile3A_59 = tpu.concatenate %slice3A_58, %slice3A_58, %slice3A_58, %slice3A_58, %slice3A_58, %slice3A_58, %slice3A_58, %slice3A_58, %slice3A_58, %slice3A_58, %slice3A_58, %slice3A_58, %slice3A_58, %slice3A_58, %slice3A_58, %slice3A_58, %slice3A_58 in 1 : vector<256x16xf32>, vector<256x16xf32>, vector<256x16xf32>, vector<256x16xf32>, vector<256x16xf32>, vector<256x16xf32>, vector<256x16xf32>, vector<256x16xf32>, vector<256x16xf32>, vector<256x16xf32>, vector<256x16xf32>, vector<256x16xf32>, vector<256x16xf32>, vector<256x16xf32>, vector<256x16xf32>, vector<256x16xf32>, vector<256x16xf32> -> vector<256x272xf32>
    %mul3A_60 = arith.mulf %dot_general3A_8, %tile3A_59 : vector<256x272xf32>
    %add3A_61 = arith.addf %add3A, %mul3A_60 : vector<256x272xf32>
    %slice3A_62 = vector.extract_strided_slice %get3A_56 {offsets = [0, 32], sizes = [256, 16], strides = [1, 1]} : vector<256x272xf32> to vector<256x16xf32>
    %tile3A_63 = tpu.concatenate %slice3A_62, %slice3A_62, %slice3A_62, %slice3A_62, %slice3A_62, %slice3A_62, %slice3A_62, %slice3A_62, %slice3A_62, %slice3A_62, %slice3A_62, %slice3A_62, %slice3A_62, %slice3A_62, %slice3A_62, %slice3A_62, %slice3A_62 in 1 : vector<256x16xf32>, vector<256x16xf32>, vector<256x16xf32>, vector<256x16xf32>, vector<256x16xf32>, vector<256x16xf32>, vector<256x16xf32>, vector<256x16xf32>, vector<256x16xf32>, vector<256x16xf32>, vector<256x16xf32>, vector<256x16xf32>, vector<256x16xf32>, vector<256x16xf32>, vector<256x16xf32>, vector<256x16xf32>, vector<256x16xf32> -> vector<256x272xf32>
    %mul3A_64 = arith.mulf %dot_general3A_11, %tile3A_63 : vector<256x272xf32>
    %add3A_65 = arith.addf %add3A_61, %mul3A_64 : vector<256x272xf32>
    %slice3A_66 = vector.extract_strided_slice %get3A_56 {offsets = [0, 48], sizes = [256, 16], strides = [1, 1]} : vector<256x272xf32> to vector<256x16xf32>
    %tile3A_67 = tpu.concatenate %slice3A_66, %slice3A_66, %slice3A_66, %slice3A_66, %slice3A_66, %slice3A_66, %slice3A_66, %slice3A_66, %slice3A_66, %slice3A_66, %slice3A_66, %slice3A_66, %slice3A_66, %slice3A_66, %slice3A_66, %slice3A_66, %slice3A_66 in 1 : vector<256x16xf32>, vector<256x16xf32>, vector<256x16xf32>, vector<256x16xf32>, vector<256x16xf32>, vector<256x16xf32>, vector<256x16xf32>, vector<256x16xf32>, vector<256x16xf32>, vector<256x16xf32>, vector<256x16xf32>, vector<256x16xf32>, vector<256x16xf32>, vector<256x16xf32>, vector<256x16xf32>, vector<256x16xf32>, vector<256x16xf32> -> vector<256x272xf32>
    %mul3A_68 = arith.mulf %dot_general3A_14, %tile3A_67 : vector<256x272xf32>
    %add3A_69 = arith.addf %add3A_65, %mul3A_68 : vector<256x272xf32>
    %slice3A_70 = vector.extract_strided_slice %get3A_56 {offsets = [0, 64], sizes = [256, 16], strides = [1, 1]} : vector<256x272xf32> to vector<256x16xf32>
    %tile3A_71 = tpu.concatenate %slice3A_70, %slice3A_70, %slice3A_70, %slice3A_70, %slice3A_70, %slice3A_70, %slice3A_70, %slice3A_70, %slice3A_70, %slice3A_70, %slice3A_70, %slice3A_70, %slice3A_70, %slice3A_70, %slice3A_70, %slice3A_70, %slice3A_70 in 1 : vector<256x16xf32>, vector<256x16xf32>, vector<256x16xf32>, vector<256x16xf32>, vector<256x16xf32>, vector<256x16xf32>, vector<256x16xf32>, vector<256x16xf32>, vector<256x16xf32>, vector<256x16xf32>, vector<256x16xf32>, vector<256x16xf32>, vector<256x16xf32>, vector<256x16xf32>, vector<256x16xf32>, vector<256x16xf32>, vector<256x16xf32> -> vector<256x272xf32>
    %mul3A_72 = arith.mulf %dot_general3A_17, %tile3A_71 : vector<256x272xf32>
    %add3A_73 = arith.addf %add3A_69, %mul3A_72 : vector<256x272xf32>
    %slice3A_74 = vector.extract_strided_slice %get3A_56 {offsets = [0, 80], sizes = [256, 16], strides = [1, 1]} : vector<256x272xf32> to vector<256x16xf32>
    %tile3A_75 = tpu.concatenate %slice3A_74, %slice3A_74, %slice3A_74, %slice3A_74, %slice3A_74, %slice3A_74, %slice3A_74, %slice3A_74, %slice3A_74, %slice3A_74, %slice3A_74, %slice3A_74, %slice3A_74, %slice3A_74, %slice3A_74, %slice3A_74, %slice3A_74 in 1 : vector<256x16xf32>, vector<256x16xf32>, vector<256x16xf32>, vector<256x16xf32>, vector<256x16xf32>, vector<256x16xf32>, vector<256x16xf32>, vector<256x16xf32>, vector<256x16xf32>, vector<256x16xf32>, vector<256x16xf32>, vector<256x16xf32>, vector<256x16xf32>, vector<256x16xf32>, vector<256x16xf32>, vector<256x16xf32>, vector<256x16xf32> -> vector<256x272xf32>
    %mul3A_76 = arith.mulf %dot_general3A_20, %tile3A_75 : vector<256x272xf32>
    %add3A_77 = arith.addf %add3A_73, %mul3A_76 : vector<256x272xf32>
    %slice3A_78 = vector.extract_strided_slice %get3A_56 {offsets = [0, 96], sizes = [256, 16], strides = [1, 1]} : vector<256x272xf32> to vector<256x16xf32>
    %tile3A_79 = tpu.concatenate %slice3A_78, %slice3A_78, %slice3A_78, %slice3A_78, %slice3A_78, %slice3A_78, %slice3A_78, %slice3A_78, %slice3A_78, %slice3A_78, %slice3A_78, %slice3A_78, %slice3A_78, %slice3A_78, %slice3A_78, %slice3A_78, %slice3A_78 in 1 : vector<256x16xf32>, vector<256x16xf32>, vector<256x16xf32>, vector<256x16xf32>, vector<256x16xf32>, vector<256x16xf32>, vector<256x16xf32>, vector<256x16xf32>, vector<256x16xf32>, vector<256x16xf32>, vector<256x16xf32>, vector<256x16xf32>, vector<256x16xf32>, vector<256x16xf32>, vector<256x16xf32>, vector<256x16xf32>, vector<256x16xf32> -> vector<256x272xf32>
    %mul3A_80 = arith.mulf %dot_general3A_23, %tile3A_79 : vector<256x272xf32>
    %add3A_81 = arith.addf %add3A_77, %mul3A_80 : vector<256x272xf32>
    %slice3A_82 = vector.extract_strided_slice %get3A_56 {offsets = [0, 112], sizes = [256, 16], strides = [1, 1]} : vector<256x272xf32> to vector<256x16xf32>
    %tile3A_83 = tpu.concatenate %slice3A_82, %slice3A_82, %slice3A_82, %slice3A_82, %slice3A_82, %slice3A_82, %slice3A_82, %slice3A_82, %slice3A_82, %slice3A_82, %slice3A_82, %slice3A_82, %slice3A_82, %slice3A_82, %slice3A_82, %slice3A_82, %slice3A_82 in 1 : vector<256x16xf32>, vector<256x16xf32>, vector<256x16xf32>, vector<256x16xf32>, vector<256x16xf32>, vector<256x16xf32>, vector<256x16xf32>, vector<256x16xf32>, vector<256x16xf32>, vector<256x16xf32>, vector<256x16xf32>, vector<256x16xf32>, vector<256x16xf32>, vector<256x16xf32>, vector<256x16xf32>, vector<256x16xf32>, vector<256x16xf32> -> vector<256x272xf32>
    %mul3A_84 = arith.mulf %dot_general3A_26, %tile3A_83 : vector<256x272xf32>
    %add3A_85 = arith.addf %add3A_81, %mul3A_84 : vector<256x272xf32>
    %slice3A_86 = vector.extract_strided_slice %get3A_56 {offsets = [0, 128], sizes = [256, 16], strides = [1, 1]} : vector<256x272xf32> to vector<256x16xf32>
    %tile3A_87 = tpu.concatenate %slice3A_86, %slice3A_86, %slice3A_86, %slice3A_86, %slice3A_86, %slice3A_86, %slice3A_86, %slice3A_86, %slice3A_86, %slice3A_86, %slice3A_86, %slice3A_86, %slice3A_86, %slice3A_86, %slice3A_86, %slice3A_86, %slice3A_86 in 1 : vector<256x16xf32>, vector<256x16xf32>, vector<256x16xf32>, vector<256x16xf32>, vector<256x16xf32>, vector<256x16xf32>, vector<256x16xf32>, vector<256x16xf32>, vector<256x16xf32>, vector<256x16xf32>, vector<256x16xf32>, vector<256x16xf32>, vector<256x16xf32>, vector<256x16xf32>, vector<256x16xf32>, vector<256x16xf32>, vector<256x16xf32> -> vector<256x272xf32>
    %mul3A_88 = arith.mulf %dot_general3A_29, %tile3A_87 : vector<256x272xf32>
    %add3A_89 = arith.addf %add3A_85, %mul3A_88 : vector<256x272xf32>
    %slice3A_90 = vector.extract_strided_slice %get3A_56 {offsets = [0, 144], sizes = [256, 16], strides = [1, 1]} : vector<256x272xf32> to vector<256x16xf32>
    %tile3A_91 = tpu.concatenate %slice3A_90, %slice3A_90, %slice3A_90, %slice3A_90, %slice3A_90, %slice3A_90, %slice3A_90, %slice3A_90, %slice3A_90, %slice3A_90, %slice3A_90, %slice3A_90, %slice3A_90, %slice3A_90, %slice3A_90, %slice3A_90, %slice3A_90 in 1 : vector<256x16xf32>, vector<256x16xf32>, vector<256x16xf32>, vector<256x16xf32>, vector<256x16xf32>, vector<256x16xf32>, vector<256x16xf32>, vector<256x16xf32>, vector<256x16xf32>, vector<256x16xf32>, vector<256x16xf32>, vector<256x16xf32>, vector<256x16xf32>, vector<256x16xf32>, vector<256x16xf32>, vector<256x16xf32>, vector<256x16xf32> -> vector<256x272xf32>
    %mul3A_92 = arith.mulf %dot_general3A_32, %tile3A_91 : vector<256x272xf32>
    %add3A_93 = arith.addf %add3A_89, %mul3A_92 : vector<256x272xf32>
    %slice3A_94 = vector.extract_strided_slice %get3A_56 {offsets = [0, 160], sizes = [256, 16], strides = [1, 1]} : vector<256x272xf32> to vector<256x16xf32>
    %tile3A_95 = tpu.concatenate %slice3A_94, %slice3A_94, %slice3A_94, %slice3A_94, %slice3A_94, %slice3A_94, %slice3A_94, %slice3A_94, %slice3A_94, %slice3A_94, %slice3A_94, %slice3A_94, %slice3A_94, %slice3A_94, %slice3A_94, %slice3A_94, %slice3A_94 in 1 : vector<256x16xf32>, vector<256x16xf32>, vector<256x16xf32>, vector<256x16xf32>, vector<256x16xf32>, vector<256x16xf32>, vector<256x16xf32>, vector<256x16xf32>, vector<256x16xf32>, vector<256x16xf32>, vector<256x16xf32>, vector<256x16xf32>, vector<256x16xf32>, vector<256x16xf32>, vector<256x16xf32>, vector<256x16xf32>, vector<256x16xf32> -> vector<256x272xf32>
    %mul3A_96 = arith.mulf %dot_general3A_35, %tile3A_95 : vector<256x272xf32>
    %add3A_97 = arith.addf %add3A_93, %mul3A_96 : vector<256x272xf32>
    %slice3A_98 = vector.extract_strided_slice %get3A_56 {offsets = [0, 176], sizes = [256, 16], strides = [1, 1]} : vector<256x272xf32> to vector<256x16xf32>
    %tile3A_99 = tpu.concatenate %slice3A_98, %slice3A_98, %slice3A_98, %slice3A_98, %slice3A_98, %slice3A_98, %slice3A_98, %slice3A_98, %slice3A_98, %slice3A_98, %slice3A_98, %slice3A_98, %slice3A_98, %slice3A_98, %slice3A_98, %slice3A_98, %slice3A_98 in 1 : vector<256x16xf32>, vector<256x16xf32>, vector<256x16xf32>, vector<256x16xf32>, vector<256x16xf32>, vector<256x16xf32>, vector<256x16xf32>, vector<256x16xf32>, vector<256x16xf32>, vector<256x16xf32>, vector<256x16xf32>, vector<256x16xf32>, vector<256x16xf32>, vector<256x16xf32>, vector<256x16xf32>, vector<256x16xf32>, vector<256x16xf32> -> vector<256x272xf32>
    %mul3A_100 = arith.mulf %dot_general3A_38, %tile3A_99 : vector<256x272xf32>
    %add3A_101 = arith.addf %add3A_97, %mul3A_100 : vector<256x272xf32>
    %slice3A_102 = vector.extract_strided_slice %get3A_56 {offsets = [0, 192], sizes = [256, 16], strides = [1, 1]} : vector<256x272xf32> to vector<256x16xf32>
    %tile3A_103 = tpu.concatenate %slice3A_102, %slice3A_102, %slice3A_102, %slice3A_102, %slice3A_102, %slice3A_102, %slice3A_102, %slice3A_102, %slice3A_102, %slice3A_102, %slice3A_102, %slice3A_102, %slice3A_102, %slice3A_102, %slice3A_102, %slice3A_102, %slice3A_102 in 1 : vector<256x16xf32>, vector<256x16xf32>, vector<256x16xf32>, vector<256x16xf32>, vector<256x16xf32>, vector<256x16xf32>, vector<256x16xf32>, vector<256x16xf32>, vector<256x16xf32>, vector<256x16xf32>, vector<256x16xf32>, vector<256x16xf32>, vector<256x16xf32>, vector<256x16xf32>, vector<256x16xf32>, vector<256x16xf32>, vector<256x16xf32> -> vector<256x272xf32>
    %mul3A_104 = arith.mulf %dot_general3A_41, %tile3A_103 : vector<256x272xf32>
    %add3A_105 = arith.addf %add3A_101, %mul3A_104 : vector<256x272xf32>
    %slice3A_106 = vector.extract_strided_slice %get3A_56 {offsets = [0, 208], sizes = [256, 16], strides = [1, 1]} : vector<256x272xf32> to vector<256x16xf32>
    %tile3A_107 = tpu.concatenate %slice3A_106, %slice3A_106, %slice3A_106, %slice3A_106, %slice3A_106, %slice3A_106, %slice3A_106, %slice3A_106, %slice3A_106, %slice3A_106, %slice3A_106, %slice3A_106, %slice3A_106, %slice3A_106, %slice3A_106, %slice3A_106, %slice3A_106 in 1 : vector<256x16xf32>, vector<256x16xf32>, vector<256x16xf32>, vector<256x16xf32>, vector<256x16xf32>, vector<256x16xf32>, vector<256x16xf32>, vector<256x16xf32>, vector<256x16xf32>, vector<256x16xf32>, vector<256x16xf32>, vector<256x16xf32>, vector<256x16xf32>, vector<256x16xf32>, vector<256x16xf32>, vector<256x16xf32>, vector<256x16xf32> -> vector<256x272xf32>
    %mul3A_108 = arith.mulf %dot_general3A_44, %tile3A_107 : vector<256x272xf32>
    %add3A_109 = arith.addf %add3A_105, %mul3A_108 : vector<256x272xf32>
    %slice3A_110 = vector.extract_strided_slice %get3A_56 {offsets = [0, 224], sizes = [256, 16], strides = [1, 1]} : vector<256x272xf32> to vector<256x16xf32>
    %tile3A_111 = tpu.concatenate %slice3A_110, %slice3A_110, %slice3A_110, %slice3A_110, %slice3A_110, %slice3A_110, %slice3A_110, %slice3A_110, %slice3A_110, %slice3A_110, %slice3A_110, %slice3A_110, %slice3A_110, %slice3A_110, %slice3A_110, %slice3A_110, %slice3A_110 in 1 : vector<256x16xf32>, vector<256x16xf32>, vector<256x16xf32>, vector<256x16xf32>, vector<256x16xf32>, vector<256x16xf32>, vector<256x16xf32>, vector<256x16xf32>, vector<256x16xf32>, vector<256x16xf32>, vector<256x16xf32>, vector<256x16xf32>, vector<256x16xf32>, vector<256x16xf32>, vector<256x16xf32>, vector<256x16xf32>, vector<256x16xf32> -> vector<256x272xf32>
    %mul3A_112 = arith.mulf %dot_general3A_47, %tile3A_111 : vector<256x272xf32>
    %add3A_113 = arith.addf %add3A_109, %mul3A_112 : vector<256x272xf32>
    %slice3A_114 = vector.extract_strided_slice %get3A_56 {offsets = [0, 240], sizes = [256, 16], strides = [1, 1]} : vector<256x272xf32> to vector<256x16xf32>
    %tile3A_115 = tpu.concatenate %slice3A_114, %slice3A_114, %slice3A_114, %slice3A_114, %slice3A_114, %slice3A_114, %slice3A_114, %slice3A_114, %slice3A_114, %slice3A_114, %slice3A_114, %slice3A_114, %slice3A_114, %slice3A_114, %slice3A_114, %slice3A_114, %slice3A_114 in 1 : vector<256x16xf32>, vector<256x16xf32>, vector<256x16xf32>, vector<256x16xf32>, vector<256x16xf32>, vector<256x16xf32>, vector<256x16xf32>, vector<256x16xf32>, vector<256x16xf32>, vector<256x16xf32>, vector<256x16xf32>, vector<256x16xf32>, vector<256x16xf32>, vector<256x16xf32>, vector<256x16xf32>, vector<256x16xf32>, vector<256x16xf32> -> vector<256x272xf32>
    %mul3A_116 = arith.mulf %dot_general3A_50, %tile3A_115 : vector<256x272xf32>
    %add3A_117 = arith.addf %add3A_113, %mul3A_116 : vector<256x272xf32>
    %slice3A_118 = vector.extract_strided_slice %get3A_56 {offsets = [0, 256], sizes = [256, 16], strides = [1, 1]} : vector<256x272xf32> to vector<256x16xf32>
    %tile3A_119 = tpu.concatenate %slice3A_118, %slice3A_118, %slice3A_118, %slice3A_118, %slice3A_118, %slice3A_118, %slice3A_118, %slice3A_118, %slice3A_118, %slice3A_118, %slice3A_118, %slice3A_118, %slice3A_118, %slice3A_118, %slice3A_118, %slice3A_118, %slice3A_118 in 1 : vector<256x16xf32>, vector<256x16xf32>, vector<256x16xf32>, vector<256x16xf32>, vector<256x16xf32>, vector<256x16xf32>, vector<256x16xf32>, vector<256x16xf32>, vector<256x16xf32>, vector<256x16xf32>, vector<256x16xf32>, vector<256x16xf32>, vector<256x16xf32>, vector<256x16xf32>, vector<256x16xf32>, vector<256x16xf32>, vector<256x16xf32> -> vector<256x272xf32>
    %mul3A_120 = arith.mulf %dot_general3A_53, %tile3A_119 : vector<256x272xf32>
    %add3A_121 = arith.addf %add3A_117, %mul3A_120 : vector<256x272xf32>
    %get3A_122 = arith.constant 0 : index
    %get3A_123 = arith.constant 0 : index
    %get3A_124 = arith.constant 0 : index
    %get3A_125 = vector.load %arg3[%get3A_122, %get3A_123, %get3A_124] : memref<6x272x272xf32, #tpu.memory_space<vmem>>, vector<1x272x272xf32>
    %get3A_126 = vector.shape_cast %get3A_125 : vector<1x272x272xf32> to vector<272x272xf32>
    %dot_general3A_127 = arith.constant dense<0.000000e+00> : vector<256x272xf32>
    %dot_general3A_128 = tpu.matmul %add3A_121, %get3A_126, %dot_general3A_127 {dimension_numbers = #tpu.dot_dimension_numbers<[1], [0], [0], [1], [0, 0, 1, 1], [], []>, transpose_lhs_hint = false} : vector<256x272xf32>, vector<272x272xf32>, vector<256x272xf32> -> vector<256x272xf32>
    %get3A_129 = arith.constant 0 : index
    %get3A_130 = arith.constant 0 : index
    %get3A_131 = vector.load %arg4[%get3A_129, %get3A_130] : memref<6x272xf32, #tpu.memory_space<vmem>>, vector<1x272xf32>
    %get3A_132 = vector.shape_cast %get3A_131 : vector<1x272xf32> to vector<272xf32>
    %broadcast_in_dim3A = vector.shape_cast %get3A_132 : vector<272xf32> to vector<1x272xf32>
    %add3A_133 = vector.broadcast %broadcast_in_dim3A : vector<1x272xf32> to vector<256x272xf32>
    %add3A_134 = arith.addf %dot_general3A_128, %add3A_133 : vector<256x272xf32>
    %max3A = arith.constant 0.000000e+00 : f32
    %max3A_135 = vector.broadcast %max3A : f32 to vector<256x272xf32>
    %max3A_136 = arith.maximumf %add3A_134, %max3A_135 : vector<256x272xf32>
    %get3A_137 = arith.constant 1 : index
    %get3A_138 = arith.constant 0 : index
    %get3A_139 = arith.constant 0 : index
    %get3A_140 = vector.load %arg3[%get3A_137, %get3A_138, %get3A_139] : memref<6x272x272xf32, #tpu.memory_space<vmem>>, vector<1x272x272xf32>
    %get3A_141 = vector.shape_cast %get3A_140 : vector<1x272x272xf32> to vector<272x272xf32>
    %dot_general3A_142 = arith.constant dense<0.000000e+00> : vector<256x272xf32>
    %dot_general3A_143 = tpu.matmul %max3A_136, %get3A_141, %dot_general3A_142 {dimension_numbers = #tpu.dot_dimension_numbers<[1], [0], [0], [1], [0, 0, 1, 1], [], []>, transpose_lhs_hint = false} : vector<256x272xf32>, vector<272x272xf32>, vector<256x272xf32> -> vector<256x272xf32>
    %get3A_144 = arith.constant 1 : index
    %get3A_145 = arith.constant 0 : index
    %get3A_146 = vector.load %arg4[%get3A_144, %get3A_145] : memref<6x272xf32, #tpu.memory_space<vmem>>, vector<1x272xf32>
    %get3A_147 = vector.shape_cast %get3A_146 : vector<1x272xf32> to vector<272xf32>
    %broadcast_in_dim3A_148 = vector.shape_cast %get3A_147 : vector<272xf32> to vector<1x272xf32>
    %add3A_149 = vector.broadcast %broadcast_in_dim3A_148 : vector<1x272xf32> to vector<256x272xf32>
    %add3A_150 = arith.addf %dot_general3A_143, %add3A_149 : vector<256x272xf32>
    %max3A_151 = arith.constant 0.000000e+00 : f32
    %max3A_152 = vector.broadcast %max3A_151 : f32 to vector<256x272xf32>
    %max3A_153 = arith.maximumf %add3A_150, %max3A_152 : vector<256x272xf32>
    %slice3A_154 = vector.extract_strided_slice %max3A_153 {offsets = [0, 0], sizes = [256, 16], strides = [1, 1]} : vector<256x272xf32> to vector<256x16xf32>
    %tile3A_155 = tpu.concatenate %slice3A_154, %slice3A_154, %slice3A_154, %slice3A_154, %slice3A_154, %slice3A_154, %slice3A_154, %slice3A_154, %slice3A_154, %slice3A_154, %slice3A_154, %slice3A_154, %slice3A_154, %slice3A_154, %slice3A_154, %slice3A_154, %slice3A_154 in 1 : vector<256x16xf32>, vector<256x16xf32>, vector<256x16xf32>, vector<256x16xf32>, vector<256x16xf32>, vector<256x16xf32>, vector<256x16xf32>, vector<256x16xf32>, vector<256x16xf32>, vector<256x16xf32>, vector<256x16xf32>, vector<256x16xf32>, vector<256x16xf32>, vector<256x16xf32>, vector<256x16xf32>, vector<256x16xf32>, vector<256x16xf32> -> vector<256x272xf32>
    %mul3A_156 = arith.mulf %dot_general3A_5, %tile3A_155 : vector<256x272xf32>
    %add3A_157 = arith.addf %max3A_153, %mul3A_156 : vector<256x272xf32>
    %slice3A_158 = vector.extract_strided_slice %max3A_153 {offsets = [0, 16], sizes = [256, 16], strides = [1, 1]} : vector<256x272xf32> to vector<256x16xf32>
    %tile3A_159 = tpu.concatenate %slice3A_158, %slice3A_158, %slice3A_158, %slice3A_158, %slice3A_158, %slice3A_158, %slice3A_158, %slice3A_158, %slice3A_158, %slice3A_158, %slice3A_158, %slice3A_158, %slice3A_158, %slice3A_158, %slice3A_158, %slice3A_158, %slice3A_158 in 1 : vector<256x16xf32>, vector<256x16xf32>, vector<256x16xf32>, vector<256x16xf32>, vector<256x16xf32>, vector<256x16xf32>, vector<256x16xf32>, vector<256x16xf32>, vector<256x16xf32>, vector<256x16xf32>, vector<256x16xf32>, vector<256x16xf32>, vector<256x16xf32>, vector<256x16xf32>, vector<256x16xf32>, vector<256x16xf32>, vector<256x16xf32> -> vector<256x272xf32>
    %mul3A_160 = arith.mulf %dot_general3A_8, %tile3A_159 : vector<256x272xf32>
    %add3A_161 = arith.addf %add3A_157, %mul3A_160 : vector<256x272xf32>
    %slice3A_162 = vector.extract_strided_slice %max3A_153 {offsets = [0, 32], sizes = [256, 16], strides = [1, 1]} : vector<256x272xf32> to vector<256x16xf32>
    %tile3A_163 = tpu.concatenate %slice3A_162, %slice3A_162, %slice3A_162, %slice3A_162, %slice3A_162, %slice3A_162, %slice3A_162, %slice3A_162, %slice3A_162, %slice3A_162, %slice3A_162, %slice3A_162, %slice3A_162, %slice3A_162, %slice3A_162, %slice3A_162, %slice3A_162 in 1 : vector<256x16xf32>, vector<256x16xf32>, vector<256x16xf32>, vector<256x16xf32>, vector<256x16xf32>, vector<256x16xf32>, vector<256x16xf32>, vector<256x16xf32>, vector<256x16xf32>, vector<256x16xf32>, vector<256x16xf32>, vector<256x16xf32>, vector<256x16xf32>, vector<256x16xf32>, vector<256x16xf32>, vector<256x16xf32>, vector<256x16xf32> -> vector<256x272xf32>
    %mul3A_164 = arith.mulf %dot_general3A_11, %tile3A_163 : vector<256x272xf32>
    %add3A_165 = arith.addf %add3A_161, %mul3A_164 : vector<256x272xf32>
    %slice3A_166 = vector.extract_strided_slice %max3A_153 {offsets = [0, 48], sizes = [256, 16], strides = [1, 1]} : vector<256x272xf32> to vector<256x16xf32>
    %tile3A_167 = tpu.concatenate %slice3A_166, %slice3A_166, %slice3A_166, %slice3A_166, %slice3A_166, %slice3A_166, %slice3A_166, %slice3A_166, %slice3A_166, %slice3A_166, %slice3A_166, %slice3A_166, %slice3A_166, %slice3A_166, %slice3A_166, %slice3A_166, %slice3A_166 in 1 : vector<256x16xf32>, vector<256x16xf32>, vector<256x16xf32>, vector<256x16xf32>, vector<256x16xf32>, vector<256x16xf32>, vector<256x16xf32>, vector<256x16xf32>, vector<256x16xf32>, vector<256x16xf32>, vector<256x16xf32>, vector<256x16xf32>, vector<256x16xf32>, vector<256x16xf32>, vector<256x16xf32>, vector<256x16xf32>, vector<256x16xf32> -> vector<256x272xf32>
    %mul3A_168 = arith.mulf %dot_general3A_14, %tile3A_167 : vector<256x272xf32>
    %add3A_169 = arith.addf %add3A_165, %mul3A_168 : vector<256x272xf32>
    %slice3A_170 = vector.extract_strided_slice %max3A_153 {offsets = [0, 64], sizes = [256, 16], strides = [1, 1]} : vector<256x272xf32> to vector<256x16xf32>
    %tile3A_171 = tpu.concatenate %slice3A_170, %slice3A_170, %slice3A_170, %slice3A_170, %slice3A_170, %slice3A_170, %slice3A_170, %slice3A_170, %slice3A_170, %slice3A_170, %slice3A_170, %slice3A_170, %slice3A_170, %slice3A_170, %slice3A_170, %slice3A_170, %slice3A_170 in 1 : vector<256x16xf32>, vector<256x16xf32>, vector<256x16xf32>, vector<256x16xf32>, vector<256x16xf32>, vector<256x16xf32>, vector<256x16xf32>, vector<256x16xf32>, vector<256x16xf32>, vector<256x16xf32>, vector<256x16xf32>, vector<256x16xf32>, vector<256x16xf32>, vector<256x16xf32>, vector<256x16xf32>, vector<256x16xf32>, vector<256x16xf32> -> vector<256x272xf32>
    %mul3A_172 = arith.mulf %dot_general3A_17, %tile3A_171 : vector<256x272xf32>
    %add3A_173 = arith.addf %add3A_169, %mul3A_172 : vector<256x272xf32>
    %slice3A_174 = vector.extract_strided_slice %max3A_153 {offsets = [0, 80], sizes = [256, 16], strides = [1, 1]} : vector<256x272xf32> to vector<256x16xf32>
    %tile3A_175 = tpu.concatenate %slice3A_174, %slice3A_174, %slice3A_174, %slice3A_174, %slice3A_174, %slice3A_174, %slice3A_174, %slice3A_174, %slice3A_174, %slice3A_174, %slice3A_174, %slice3A_174, %slice3A_174, %slice3A_174, %slice3A_174, %slice3A_174, %slice3A_174 in 1 : vector<256x16xf32>, vector<256x16xf32>, vector<256x16xf32>, vector<256x16xf32>, vector<256x16xf32>, vector<256x16xf32>, vector<256x16xf32>, vector<256x16xf32>, vector<256x16xf32>, vector<256x16xf32>, vector<256x16xf32>, vector<256x16xf32>, vector<256x16xf32>, vector<256x16xf32>, vector<256x16xf32>, vector<256x16xf32>, vector<256x16xf32> -> vector<256x272xf32>
    %mul3A_176 = arith.mulf %dot_general3A_20, %tile3A_175 : vector<256x272xf32>
    %add3A_177 = arith.addf %add3A_173, %mul3A_176 : vector<256x272xf32>
    %slice3A_178 = vector.extract_strided_slice %max3A_153 {offsets = [0, 96], sizes = [256, 16], strides = [1, 1]} : vector<256x272xf32> to vector<256x16xf32>
    %tile3A_179 = tpu.concatenate %slice3A_178, %slice3A_178, %slice3A_178, %slice3A_178, %slice3A_178, %slice3A_178, %slice3A_178, %slice3A_178, %slice3A_178, %slice3A_178, %slice3A_178, %slice3A_178, %slice3A_178, %slice3A_178, %slice3A_178, %slice3A_178, %slice3A_178 in 1 : vector<256x16xf32>, vector<256x16xf32>, vector<256x16xf32>, vector<256x16xf32>, vector<256x16xf32>, vector<256x16xf32>, vector<256x16xf32>, vector<256x16xf32>, vector<256x16xf32>, vector<256x16xf32>, vector<256x16xf32>, vector<256x16xf32>, vector<256x16xf32>, vector<256x16xf32>, vector<256x16xf32>, vector<256x16xf32>, vector<256x16xf32> -> vector<256x272xf32>
    %mul3A_180 = arith.mulf %dot_general3A_23, %tile3A_179 : vector<256x272xf32>
    %add3A_181 = arith.addf %add3A_177, %mul3A_180 : vector<256x272xf32>
    %slice3A_182 = vector.extract_strided_slice %max3A_153 {offsets = [0, 112], sizes = [256, 16], strides = [1, 1]} : vector<256x272xf32> to vector<256x16xf32>
    %tile3A_183 = tpu.concatenate %slice3A_182, %slice3A_182, %slice3A_182, %slice3A_182, %slice3A_182, %slice3A_182, %slice3A_182, %slice3A_182, %slice3A_182, %slice3A_182, %slice3A_182, %slice3A_182, %slice3A_182, %slice3A_182, %slice3A_182, %slice3A_182, %slice3A_182 in 1 : vector<256x16xf32>, vector<256x16xf32>, vector<256x16xf32>, vector<256x16xf32>, vector<256x16xf32>, vector<256x16xf32>, vector<256x16xf32>, vector<256x16xf32>, vector<256x16xf32>, vector<256x16xf32>, vector<256x16xf32>, vector<256x16xf32>, vector<256x16xf32>, vector<256x16xf32>, vector<256x16xf32>, vector<256x16xf32>, vector<256x16xf32> -> vector<256x272xf32>
    %mul3A_184 = arith.mulf %dot_general3A_26, %tile3A_183 : vector<256x272xf32>
    %add3A_185 = arith.addf %add3A_181, %mul3A_184 : vector<256x272xf32>
    %slice3A_186 = vector.extract_strided_slice %max3A_153 {offsets = [0, 128], sizes = [256, 16], strides = [1, 1]} : vector<256x272xf32> to vector<256x16xf32>
    %tile3A_187 = tpu.concatenate %slice3A_186, %slice3A_186, %slice3A_186, %slice3A_186, %slice3A_186, %slice3A_186, %slice3A_186, %slice3A_186, %slice3A_186, %slice3A_186, %slice3A_186, %slice3A_186, %slice3A_186, %slice3A_186, %slice3A_186, %slice3A_186, %slice3A_186 in 1 : vector<256x16xf32>, vector<256x16xf32>, vector<256x16xf32>, vector<256x16xf32>, vector<256x16xf32>, vector<256x16xf32>, vector<256x16xf32>, vector<256x16xf32>, vector<256x16xf32>, vector<256x16xf32>, vector<256x16xf32>, vector<256x16xf32>, vector<256x16xf32>, vector<256x16xf32>, vector<256x16xf32>, vector<256x16xf32>, vector<256x16xf32> -> vector<256x272xf32>
    %mul3A_188 = arith.mulf %dot_general3A_29, %tile3A_187 : vector<256x272xf32>
    %add3A_189 = arith.addf %add3A_185, %mul3A_188 : vector<256x272xf32>
    %slice3A_190 = vector.extract_strided_slice %max3A_153 {offsets = [0, 144], sizes = [256, 16], strides = [1, 1]} : vector<256x272xf32> to vector<256x16xf32>
    %tile3A_191 = tpu.concatenate %slice3A_190, %slice3A_190, %slice3A_190, %slice3A_190, %slice3A_190, %slice3A_190, %slice3A_190, %slice3A_190, %slice3A_190, %slice3A_190, %slice3A_190, %slice3A_190, %slice3A_190, %slice3A_190, %slice3A_190, %slice3A_190, %slice3A_190 in 1 : vector<256x16xf32>, vector<256x16xf32>, vector<256x16xf32>, vector<256x16xf32>, vector<256x16xf32>, vector<256x16xf32>, vector<256x16xf32>, vector<256x16xf32>, vector<256x16xf32>, vector<256x16xf32>, vector<256x16xf32>, vector<256x16xf32>, vector<256x16xf32>, vector<256x16xf32>, vector<256x16xf32>, vector<256x16xf32>, vector<256x16xf32> -> vector<256x272xf32>
    %mul3A_192 = arith.mulf %dot_general3A_32, %tile3A_191 : vector<256x272xf32>
    %add3A_193 = arith.addf %add3A_189, %mul3A_192 : vector<256x272xf32>
    %slice3A_194 = vector.extract_strided_slice %max3A_153 {offsets = [0, 160], sizes = [256, 16], strides = [1, 1]} : vector<256x272xf32> to vector<256x16xf32>
    %tile3A_195 = tpu.concatenate %slice3A_194, %slice3A_194, %slice3A_194, %slice3A_194, %slice3A_194, %slice3A_194, %slice3A_194, %slice3A_194, %slice3A_194, %slice3A_194, %slice3A_194, %slice3A_194, %slice3A_194, %slice3A_194, %slice3A_194, %slice3A_194, %slice3A_194 in 1 : vector<256x16xf32>, vector<256x16xf32>, vector<256x16xf32>, vector<256x16xf32>, vector<256x16xf32>, vector<256x16xf32>, vector<256x16xf32>, vector<256x16xf32>, vector<256x16xf32>, vector<256x16xf32>, vector<256x16xf32>, vector<256x16xf32>, vector<256x16xf32>, vector<256x16xf32>, vector<256x16xf32>, vector<256x16xf32>, vector<256x16xf32> -> vector<256x272xf32>
    %mul3A_196 = arith.mulf %dot_general3A_35, %tile3A_195 : vector<256x272xf32>
    %add3A_197 = arith.addf %add3A_193, %mul3A_196 : vector<256x272xf32>
    %slice3A_198 = vector.extract_strided_slice %max3A_153 {offsets = [0, 176], sizes = [256, 16], strides = [1, 1]} : vector<256x272xf32> to vector<256x16xf32>
    %tile3A_199 = tpu.concatenate %slice3A_198, %slice3A_198, %slice3A_198, %slice3A_198, %slice3A_198, %slice3A_198, %slice3A_198, %slice3A_198, %slice3A_198, %slice3A_198, %slice3A_198, %slice3A_198, %slice3A_198, %slice3A_198, %slice3A_198, %slice3A_198, %slice3A_198 in 1 : vector<256x16xf32>, vector<256x16xf32>, vector<256x16xf32>, vector<256x16xf32>, vector<256x16xf32>, vector<256x16xf32>, vector<256x16xf32>, vector<256x16xf32>, vector<256x16xf32>, vector<256x16xf32>, vector<256x16xf32>, vector<256x16xf32>, vector<256x16xf32>, vector<256x16xf32>, vector<256x16xf32>, vector<256x16xf32>, vector<256x16xf32> -> vector<256x272xf32>
    %mul3A_200 = arith.mulf %dot_general3A_38, %tile3A_199 : vector<256x272xf32>
    %add3A_201 = arith.addf %add3A_197, %mul3A_200 : vector<256x272xf32>
    %slice3A_202 = vector.extract_strided_slice %max3A_153 {offsets = [0, 192], sizes = [256, 16], strides = [1, 1]} : vector<256x272xf32> to vector<256x16xf32>
    %tile3A_203 = tpu.concatenate %slice3A_202, %slice3A_202, %slice3A_202, %slice3A_202, %slice3A_202, %slice3A_202, %slice3A_202, %slice3A_202, %slice3A_202, %slice3A_202, %slice3A_202, %slice3A_202, %slice3A_202, %slice3A_202, %slice3A_202, %slice3A_202, %slice3A_202 in 1 : vector<256x16xf32>, vector<256x16xf32>, vector<256x16xf32>, vector<256x16xf32>, vector<256x16xf32>, vector<256x16xf32>, vector<256x16xf32>, vector<256x16xf32>, vector<256x16xf32>, vector<256x16xf32>, vector<256x16xf32>, vector<256x16xf32>, vector<256x16xf32>, vector<256x16xf32>, vector<256x16xf32>, vector<256x16xf32>, vector<256x16xf32> -> vector<256x272xf32>
    %mul3A_204 = arith.mulf %dot_general3A_41, %tile3A_203 : vector<256x272xf32>
    %add3A_205 = arith.addf %add3A_201, %mul3A_204 : vector<256x272xf32>
    %slice3A_206 = vector.extract_strided_slice %max3A_153 {offsets = [0, 208], sizes = [256, 16], strides = [1, 1]} : vector<256x272xf32> to vector<256x16xf32>
    %tile3A_207 = tpu.concatenate %slice3A_206, %slice3A_206, %slice3A_206, %slice3A_206, %slice3A_206, %slice3A_206, %slice3A_206, %slice3A_206, %slice3A_206, %slice3A_206, %slice3A_206, %slice3A_206, %slice3A_206, %slice3A_206, %slice3A_206, %slice3A_206, %slice3A_206 in 1 : vector<256x16xf32>, vector<256x16xf32>, vector<256x16xf32>, vector<256x16xf32>, vector<256x16xf32>, vector<256x16xf32>, vector<256x16xf32>, vector<256x16xf32>, vector<256x16xf32>, vector<256x16xf32>, vector<256x16xf32>, vector<256x16xf32>, vector<256x16xf32>, vector<256x16xf32>, vector<256x16xf32>, vector<256x16xf32>, vector<256x16xf32> -> vector<256x272xf32>
    %mul3A_208 = arith.mulf %dot_general3A_44, %tile3A_207 : vector<256x272xf32>
    %add3A_209 = arith.addf %add3A_205, %mul3A_208 : vector<256x272xf32>
    %slice3A_210 = vector.extract_strided_slice %max3A_153 {offsets = [0, 224], sizes = [256, 16], strides = [1, 1]} : vector<256x272xf32> to vector<256x16xf32>
    %tile3A_211 = tpu.concatenate %slice3A_210, %slice3A_210, %slice3A_210, %slice3A_210, %slice3A_210, %slice3A_210, %slice3A_210, %slice3A_210, %slice3A_210, %slice3A_210, %slice3A_210, %slice3A_210, %slice3A_210, %slice3A_210, %slice3A_210, %slice3A_210, %slice3A_210 in 1 : vector<256x16xf32>, vector<256x16xf32>, vector<256x16xf32>, vector<256x16xf32>, vector<256x16xf32>, vector<256x16xf32>, vector<256x16xf32>, vector<256x16xf32>, vector<256x16xf32>, vector<256x16xf32>, vector<256x16xf32>, vector<256x16xf32>, vector<256x16xf32>, vector<256x16xf32>, vector<256x16xf32>, vector<256x16xf32>, vector<256x16xf32> -> vector<256x272xf32>
    %mul3A_212 = arith.mulf %dot_general3A_47, %tile3A_211 : vector<256x272xf32>
    %add3A_213 = arith.addf %add3A_209, %mul3A_212 : vector<256x272xf32>
    %slice3A_214 = vector.extract_strided_slice %max3A_153 {offsets = [0, 240], sizes = [256, 16], strides = [1, 1]} : vector<256x272xf32> to vector<256x16xf32>
    %tile3A_215 = tpu.concatenate %slice3A_214, %slice3A_214, %slice3A_214, %slice3A_214, %slice3A_214, %slice3A_214, %slice3A_214, %slice3A_214, %slice3A_214, %slice3A_214, %slice3A_214, %slice3A_214, %slice3A_214, %slice3A_214, %slice3A_214, %slice3A_214, %slice3A_214 in 1 : vector<256x16xf32>, vector<256x16xf32>, vector<256x16xf32>, vector<256x16xf32>, vector<256x16xf32>, vector<256x16xf32>, vector<256x16xf32>, vector<256x16xf32>, vector<256x16xf32>, vector<256x16xf32>, vector<256x16xf32>, vector<256x16xf32>, vector<256x16xf32>, vector<256x16xf32>, vector<256x16xf32>, vector<256x16xf32>, vector<256x16xf32> -> vector<256x272xf32>
    %mul3A_216 = arith.mulf %dot_general3A_50, %tile3A_215 : vector<256x272xf32>
    %add3A_217 = arith.addf %add3A_213, %mul3A_216 : vector<256x272xf32>
    %slice3A_218 = vector.extract_strided_slice %max3A_153 {offsets = [0, 256], sizes = [256, 16], strides = [1, 1]} : vector<256x272xf32> to vector<256x16xf32>
    %tile3A_219 = tpu.concatenate %slice3A_218, %slice3A_218, %slice3A_218, %slice3A_218, %slice3A_218, %slice3A_218, %slice3A_218, %slice3A_218, %slice3A_218, %slice3A_218, %slice3A_218, %slice3A_218, %slice3A_218, %slice3A_218, %slice3A_218, %slice3A_218, %slice3A_218 in 1 : vector<256x16xf32>, vector<256x16xf32>, vector<256x16xf32>, vector<256x16xf32>, vector<256x16xf32>, vector<256x16xf32>, vector<256x16xf32>, vector<256x16xf32>, vector<256x16xf32>, vector<256x16xf32>, vector<256x16xf32>, vector<256x16xf32>, vector<256x16xf32>, vector<256x16xf32>, vector<256x16xf32>, vector<256x16xf32>, vector<256x16xf32> -> vector<256x272xf32>
    %mul3A_220 = arith.mulf %dot_general3A_53, %tile3A_219 : vector<256x272xf32>
    %add3A_221 = arith.addf %add3A_217, %mul3A_220 : vector<256x272xf32>
    %get3A_222 = arith.constant 2 : index
    %get3A_223 = arith.constant 0 : index
    %get3A_224 = arith.constant 0 : index
    %get3A_225 = vector.load %arg3[%get3A_222, %get3A_223, %get3A_224] : memref<6x272x272xf32, #tpu.memory_space<vmem>>, vector<1x272x272xf32>
    %get3A_226 = vector.shape_cast %get3A_225 : vector<1x272x272xf32> to vector<272x272xf32>
    %dot_general3A_227 = arith.constant dense<0.000000e+00> : vector<256x272xf32>
    %dot_general3A_228 = tpu.matmul %add3A_221, %get3A_226, %dot_general3A_227 {dimension_numbers = #tpu.dot_dimension_numbers<[1], [0], [0], [1], [0, 0, 1, 1], [], []>, transpose_lhs_hint = false} : vector<256x272xf32>, vector<272x272xf32>, vector<256x272xf32> -> vector<256x272xf32>
    %get3A_229 = arith.constant 2 : index
    %get3A_230 = arith.constant 0 : index
    %get3A_231 = vector.load %arg4[%get3A_229, %get3A_230] : memref<6x272xf32, #tpu.memory_space<vmem>>, vector<1x272xf32>
    %get3A_232 = vector.shape_cast %get3A_231 : vector<1x272xf32> to vector<272xf32>
    %broadcast_in_dim3A_233 = vector.shape_cast %get3A_232 : vector<272xf32> to vector<1x272xf32>
    %add3A_234 = vector.broadcast %broadcast_in_dim3A_233 : vector<1x272xf32> to vector<256x272xf32>
    %add3A_235 = arith.addf %dot_general3A_228, %add3A_234 : vector<256x272xf32>
    %max3A_236 = arith.constant 0.000000e+00 : f32
    %max3A_237 = vector.broadcast %max3A_236 : f32 to vector<256x272xf32>
    %max3A_238 = arith.maximumf %add3A_235, %max3A_237 : vector<256x272xf32>
    %get3A_239 = arith.constant 3 : index
    %get3A_240 = arith.constant 0 : index
    %get3A_241 = arith.constant 0 : index
    %get3A_242 = vector.load %arg3[%get3A_239, %get3A_240, %get3A_241] : memref<6x272x272xf32, #tpu.memory_space<vmem>>, vector<1x272x272xf32>
    %get3A_243 = vector.shape_cast %get3A_242 : vector<1x272x272xf32> to vector<272x272xf32>
    %dot_general3A_244 = arith.constant dense<0.000000e+00> : vector<256x272xf32>
    %dot_general3A_245 = tpu.matmul %max3A_238, %get3A_243, %dot_general3A_244 {dimension_numbers = #tpu.dot_dimension_numbers<[1], [0], [0], [1], [0, 0, 1, 1], [], []>, transpose_lhs_hint = false} : vector<256x272xf32>, vector<272x272xf32>, vector<256x272xf32> -> vector<256x272xf32>
    %get3A_246 = arith.constant 3 : index
    %get3A_247 = arith.constant 0 : index
    %get3A_248 = vector.load %arg4[%get3A_246, %get3A_247] : memref<6x272xf32, #tpu.memory_space<vmem>>, vector<1x272xf32>
    %get3A_249 = vector.shape_cast %get3A_248 : vector<1x272xf32> to vector<272xf32>
    %broadcast_in_dim3A_250 = vector.shape_cast %get3A_249 : vector<272xf32> to vector<1x272xf32>
    %add3A_251 = vector.broadcast %broadcast_in_dim3A_250 : vector<1x272xf32> to vector<256x272xf32>
    %add3A_252 = arith.addf %dot_general3A_245, %add3A_251 : vector<256x272xf32>
    %max3A_253 = arith.constant 0.000000e+00 : f32
    %max3A_254 = vector.broadcast %max3A_253 : f32 to vector<256x272xf32>
    %max3A_255 = arith.maximumf %add3A_252, %max3A_254 : vector<256x272xf32>
    %slice3A_256 = vector.extract_strided_slice %max3A_255 {offsets = [0, 0], sizes = [256, 16], strides = [1, 1]} : vector<256x272xf32> to vector<256x16xf32>
    %tile3A_257 = tpu.concatenate %slice3A_256, %slice3A_256, %slice3A_256, %slice3A_256, %slice3A_256, %slice3A_256, %slice3A_256, %slice3A_256, %slice3A_256, %slice3A_256, %slice3A_256, %slice3A_256, %slice3A_256, %slice3A_256, %slice3A_256, %slice3A_256, %slice3A_256 in 1 : vector<256x16xf32>, vector<256x16xf32>, vector<256x16xf32>, vector<256x16xf32>, vector<256x16xf32>, vector<256x16xf32>, vector<256x16xf32>, vector<256x16xf32>, vector<256x16xf32>, vector<256x16xf32>, vector<256x16xf32>, vector<256x16xf32>, vector<256x16xf32>, vector<256x16xf32>, vector<256x16xf32>, vector<256x16xf32>, vector<256x16xf32> -> vector<256x272xf32>
    %mul3A_258 = arith.mulf %dot_general3A_5, %tile3A_257 : vector<256x272xf32>
    %add3A_259 = arith.addf %max3A_255, %mul3A_258 : vector<256x272xf32>
    %slice3A_260 = vector.extract_strided_slice %max3A_255 {offsets = [0, 16], sizes = [256, 16], strides = [1, 1]} : vector<256x272xf32> to vector<256x16xf32>
    %tile3A_261 = tpu.concatenate %slice3A_260, %slice3A_260, %slice3A_260, %slice3A_260, %slice3A_260, %slice3A_260, %slice3A_260, %slice3A_260, %slice3A_260, %slice3A_260, %slice3A_260, %slice3A_260, %slice3A_260, %slice3A_260, %slice3A_260, %slice3A_260, %slice3A_260 in 1 : vector<256x16xf32>, vector<256x16xf32>, vector<256x16xf32>, vector<256x16xf32>, vector<256x16xf32>, vector<256x16xf32>, vector<256x16xf32>, vector<256x16xf32>, vector<256x16xf32>, vector<256x16xf32>, vector<256x16xf32>, vector<256x16xf32>, vector<256x16xf32>, vector<256x16xf32>, vector<256x16xf32>, vector<256x16xf32>, vector<256x16xf32> -> vector<256x272xf32>
    %mul3A_262 = arith.mulf %dot_general3A_8, %tile3A_261 : vector<256x272xf32>
    %add3A_263 = arith.addf %add3A_259, %mul3A_262 : vector<256x272xf32>
    %slice3A_264 = vector.extract_strided_slice %max3A_255 {offsets = [0, 32], sizes = [256, 16], strides = [1, 1]} : vector<256x272xf32> to vector<256x16xf32>
    %tile3A_265 = tpu.concatenate %slice3A_264, %slice3A_264, %slice3A_264, %slice3A_264, %slice3A_264, %slice3A_264, %slice3A_264, %slice3A_264, %slice3A_264, %slice3A_264, %slice3A_264, %slice3A_264, %slice3A_264, %slice3A_264, %slice3A_264, %slice3A_264, %slice3A_264 in 1 : vector<256x16xf32>, vector<256x16xf32>, vector<256x16xf32>, vector<256x16xf32>, vector<256x16xf32>, vector<256x16xf32>, vector<256x16xf32>, vector<256x16xf32>, vector<256x16xf32>, vector<256x16xf32>, vector<256x16xf32>, vector<256x16xf32>, vector<256x16xf32>, vector<256x16xf32>, vector<256x16xf32>, vector<256x16xf32>, vector<256x16xf32> -> vector<256x272xf32>
    %mul3A_266 = arith.mulf %dot_general3A_11, %tile3A_265 : vector<256x272xf32>
    %add3A_267 = arith.addf %add3A_263, %mul3A_266 : vector<256x272xf32>
    %slice3A_268 = vector.extract_strided_slice %max3A_255 {offsets = [0, 48], sizes = [256, 16], strides = [1, 1]} : vector<256x272xf32> to vector<256x16xf32>
    %tile3A_269 = tpu.concatenate %slice3A_268, %slice3A_268, %slice3A_268, %slice3A_268, %slice3A_268, %slice3A_268, %slice3A_268, %slice3A_268, %slice3A_268, %slice3A_268, %slice3A_268, %slice3A_268, %slice3A_268, %slice3A_268, %slice3A_268, %slice3A_268, %slice3A_268 in 1 : vector<256x16xf32>, vector<256x16xf32>, vector<256x16xf32>, vector<256x16xf32>, vector<256x16xf32>, vector<256x16xf32>, vector<256x16xf32>, vector<256x16xf32>, vector<256x16xf32>, vector<256x16xf32>, vector<256x16xf32>, vector<256x16xf32>, vector<256x16xf32>, vector<256x16xf32>, vector<256x16xf32>, vector<256x16xf32>, vector<256x16xf32> -> vector<256x272xf32>
    %mul3A_270 = arith.mulf %dot_general3A_14, %tile3A_269 : vector<256x272xf32>
    %add3A_271 = arith.addf %add3A_267, %mul3A_270 : vector<256x272xf32>
    %slice3A_272 = vector.extract_strided_slice %max3A_255 {offsets = [0, 64], sizes = [256, 16], strides = [1, 1]} : vector<256x272xf32> to vector<256x16xf32>
    %tile3A_273 = tpu.concatenate %slice3A_272, %slice3A_272, %slice3A_272, %slice3A_272, %slice3A_272, %slice3A_272, %slice3A_272, %slice3A_272, %slice3A_272, %slice3A_272, %slice3A_272, %slice3A_272, %slice3A_272, %slice3A_272, %slice3A_272, %slice3A_272, %slice3A_272 in 1 : vector<256x16xf32>, vector<256x16xf32>, vector<256x16xf32>, vector<256x16xf32>, vector<256x16xf32>, vector<256x16xf32>, vector<256x16xf32>, vector<256x16xf32>, vector<256x16xf32>, vector<256x16xf32>, vector<256x16xf32>, vector<256x16xf32>, vector<256x16xf32>, vector<256x16xf32>, vector<256x16xf32>, vector<256x16xf32>, vector<256x16xf32> -> vector<256x272xf32>
    %mul3A_274 = arith.mulf %dot_general3A_17, %tile3A_273 : vector<256x272xf32>
    %add3A_275 = arith.addf %add3A_271, %mul3A_274 : vector<256x272xf32>
    %slice3A_276 = vector.extract_strided_slice %max3A_255 {offsets = [0, 80], sizes = [256, 16], strides = [1, 1]} : vector<256x272xf32> to vector<256x16xf32>
    %tile3A_277 = tpu.concatenate %slice3A_276, %slice3A_276, %slice3A_276, %slice3A_276, %slice3A_276, %slice3A_276, %slice3A_276, %slice3A_276, %slice3A_276, %slice3A_276, %slice3A_276, %slice3A_276, %slice3A_276, %slice3A_276, %slice3A_276, %slice3A_276, %slice3A_276 in 1 : vector<256x16xf32>, vector<256x16xf32>, vector<256x16xf32>, vector<256x16xf32>, vector<256x16xf32>, vector<256x16xf32>, vector<256x16xf32>, vector<256x16xf32>, vector<256x16xf32>, vector<256x16xf32>, vector<256x16xf32>, vector<256x16xf32>, vector<256x16xf32>, vector<256x16xf32>, vector<256x16xf32>, vector<256x16xf32>, vector<256x16xf32> -> vector<256x272xf32>
    %mul3A_278 = arith.mulf %dot_general3A_20, %tile3A_277 : vector<256x272xf32>
    %add3A_279 = arith.addf %add3A_275, %mul3A_278 : vector<256x272xf32>
    %slice3A_280 = vector.extract_strided_slice %max3A_255 {offsets = [0, 96], sizes = [256, 16], strides = [1, 1]} : vector<256x272xf32> to vector<256x16xf32>
    %tile3A_281 = tpu.concatenate %slice3A_280, %slice3A_280, %slice3A_280, %slice3A_280, %slice3A_280, %slice3A_280, %slice3A_280, %slice3A_280, %slice3A_280, %slice3A_280, %slice3A_280, %slice3A_280, %slice3A_280, %slice3A_280, %slice3A_280, %slice3A_280, %slice3A_280 in 1 : vector<256x16xf32>, vector<256x16xf32>, vector<256x16xf32>, vector<256x16xf32>, vector<256x16xf32>, vector<256x16xf32>, vector<256x16xf32>, vector<256x16xf32>, vector<256x16xf32>, vector<256x16xf32>, vector<256x16xf32>, vector<256x16xf32>, vector<256x16xf32>, vector<256x16xf32>, vector<256x16xf32>, vector<256x16xf32>, vector<256x16xf32> -> vector<256x272xf32>
    %mul3A_282 = arith.mulf %dot_general3A_23, %tile3A_281 : vector<256x272xf32>
    %add3A_283 = arith.addf %add3A_279, %mul3A_282 : vector<256x272xf32>
    %slice3A_284 = vector.extract_strided_slice %max3A_255 {offsets = [0, 112], sizes = [256, 16], strides = [1, 1]} : vector<256x272xf32> to vector<256x16xf32>
    %tile3A_285 = tpu.concatenate %slice3A_284, %slice3A_284, %slice3A_284, %slice3A_284, %slice3A_284, %slice3A_284, %slice3A_284, %slice3A_284, %slice3A_284, %slice3A_284, %slice3A_284, %slice3A_284, %slice3A_284, %slice3A_284, %slice3A_284, %slice3A_284, %slice3A_284 in 1 : vector<256x16xf32>, vector<256x16xf32>, vector<256x16xf32>, vector<256x16xf32>, vector<256x16xf32>, vector<256x16xf32>, vector<256x16xf32>, vector<256x16xf32>, vector<256x16xf32>, vector<256x16xf32>, vector<256x16xf32>, vector<256x16xf32>, vector<256x16xf32>, vector<256x16xf32>, vector<256x16xf32>, vector<256x16xf32>, vector<256x16xf32> -> vector<256x272xf32>
    %mul3A_286 = arith.mulf %dot_general3A_26, %tile3A_285 : vector<256x272xf32>
    %add3A_287 = arith.addf %add3A_283, %mul3A_286 : vector<256x272xf32>
    %slice3A_288 = vector.extract_strided_slice %max3A_255 {offsets = [0, 128], sizes = [256, 16], strides = [1, 1]} : vector<256x272xf32> to vector<256x16xf32>
    %tile3A_289 = tpu.concatenate %slice3A_288, %slice3A_288, %slice3A_288, %slice3A_288, %slice3A_288, %slice3A_288, %slice3A_288, %slice3A_288, %slice3A_288, %slice3A_288, %slice3A_288, %slice3A_288, %slice3A_288, %slice3A_288, %slice3A_288, %slice3A_288, %slice3A_288 in 1 : vector<256x16xf32>, vector<256x16xf32>, vector<256x16xf32>, vector<256x16xf32>, vector<256x16xf32>, vector<256x16xf32>, vector<256x16xf32>, vector<256x16xf32>, vector<256x16xf32>, vector<256x16xf32>, vector<256x16xf32>, vector<256x16xf32>, vector<256x16xf32>, vector<256x16xf32>, vector<256x16xf32>, vector<256x16xf32>, vector<256x16xf32> -> vector<256x272xf32>
    %mul3A_290 = arith.mulf %dot_general3A_29, %tile3A_289 : vector<256x272xf32>
    %add3A_291 = arith.addf %add3A_287, %mul3A_290 : vector<256x272xf32>
    %slice3A_292 = vector.extract_strided_slice %max3A_255 {offsets = [0, 144], sizes = [256, 16], strides = [1, 1]} : vector<256x272xf32> to vector<256x16xf32>
    %tile3A_293 = tpu.concatenate %slice3A_292, %slice3A_292, %slice3A_292, %slice3A_292, %slice3A_292, %slice3A_292, %slice3A_292, %slice3A_292, %slice3A_292, %slice3A_292, %slice3A_292, %slice3A_292, %slice3A_292, %slice3A_292, %slice3A_292, %slice3A_292, %slice3A_292 in 1 : vector<256x16xf32>, vector<256x16xf32>, vector<256x16xf32>, vector<256x16xf32>, vector<256x16xf32>, vector<256x16xf32>, vector<256x16xf32>, vector<256x16xf32>, vector<256x16xf32>, vector<256x16xf32>, vector<256x16xf32>, vector<256x16xf32>, vector<256x16xf32>, vector<256x16xf32>, vector<256x16xf32>, vector<256x16xf32>, vector<256x16xf32> -> vector<256x272xf32>
    %mul3A_294 = arith.mulf %dot_general3A_32, %tile3A_293 : vector<256x272xf32>
    %add3A_295 = arith.addf %add3A_291, %mul3A_294 : vector<256x272xf32>
    %slice3A_296 = vector.extract_strided_slice %max3A_255 {offsets = [0, 160], sizes = [256, 16], strides = [1, 1]} : vector<256x272xf32> to vector<256x16xf32>
    %tile3A_297 = tpu.concatenate %slice3A_296, %slice3A_296, %slice3A_296, %slice3A_296, %slice3A_296, %slice3A_296, %slice3A_296, %slice3A_296, %slice3A_296, %slice3A_296, %slice3A_296, %slice3A_296, %slice3A_296, %slice3A_296, %slice3A_296, %slice3A_296, %slice3A_296 in 1 : vector<256x16xf32>, vector<256x16xf32>, vector<256x16xf32>, vector<256x16xf32>, vector<256x16xf32>, vector<256x16xf32>, vector<256x16xf32>, vector<256x16xf32>, vector<256x16xf32>, vector<256x16xf32>, vector<256x16xf32>, vector<256x16xf32>, vector<256x16xf32>, vector<256x16xf32>, vector<256x16xf32>, vector<256x16xf32>, vector<256x16xf32> -> vector<256x272xf32>
    %mul3A_298 = arith.mulf %dot_general3A_35, %tile3A_297 : vector<256x272xf32>
    %add3A_299 = arith.addf %add3A_295, %mul3A_298 : vector<256x272xf32>
    %slice3A_300 = vector.extract_strided_slice %max3A_255 {offsets = [0, 176], sizes = [256, 16], strides = [1, 1]} : vector<256x272xf32> to vector<256x16xf32>
    %tile3A_301 = tpu.concatenate %slice3A_300, %slice3A_300, %slice3A_300, %slice3A_300, %slice3A_300, %slice3A_300, %slice3A_300, %slice3A_300, %slice3A_300, %slice3A_300, %slice3A_300, %slice3A_300, %slice3A_300, %slice3A_300, %slice3A_300, %slice3A_300, %slice3A_300 in 1 : vector<256x16xf32>, vector<256x16xf32>, vector<256x16xf32>, vector<256x16xf32>, vector<256x16xf32>, vector<256x16xf32>, vector<256x16xf32>, vector<256x16xf32>, vector<256x16xf32>, vector<256x16xf32>, vector<256x16xf32>, vector<256x16xf32>, vector<256x16xf32>, vector<256x16xf32>, vector<256x16xf32>, vector<256x16xf32>, vector<256x16xf32> -> vector<256x272xf32>
    %mul3A_302 = arith.mulf %dot_general3A_38, %tile3A_301 : vector<256x272xf32>
    %add3A_303 = arith.addf %add3A_299, %mul3A_302 : vector<256x272xf32>
    %slice3A_304 = vector.extract_strided_slice %max3A_255 {offsets = [0, 192], sizes = [256, 16], strides = [1, 1]} : vector<256x272xf32> to vector<256x16xf32>
    %tile3A_305 = tpu.concatenate %slice3A_304, %slice3A_304, %slice3A_304, %slice3A_304, %slice3A_304, %slice3A_304, %slice3A_304, %slice3A_304, %slice3A_304, %slice3A_304, %slice3A_304, %slice3A_304, %slice3A_304, %slice3A_304, %slice3A_304, %slice3A_304, %slice3A_304 in 1 : vector<256x16xf32>, vector<256x16xf32>, vector<256x16xf32>, vector<256x16xf32>, vector<256x16xf32>, vector<256x16xf32>, vector<256x16xf32>, vector<256x16xf32>, vector<256x16xf32>, vector<256x16xf32>, vector<256x16xf32>, vector<256x16xf32>, vector<256x16xf32>, vector<256x16xf32>, vector<256x16xf32>, vector<256x16xf32>, vector<256x16xf32> -> vector<256x272xf32>
    %mul3A_306 = arith.mulf %dot_general3A_41, %tile3A_305 : vector<256x272xf32>
    %add3A_307 = arith.addf %add3A_303, %mul3A_306 : vector<256x272xf32>
    %slice3A_308 = vector.extract_strided_slice %max3A_255 {offsets = [0, 208], sizes = [256, 16], strides = [1, 1]} : vector<256x272xf32> to vector<256x16xf32>
    %tile3A_309 = tpu.concatenate %slice3A_308, %slice3A_308, %slice3A_308, %slice3A_308, %slice3A_308, %slice3A_308, %slice3A_308, %slice3A_308, %slice3A_308, %slice3A_308, %slice3A_308, %slice3A_308, %slice3A_308, %slice3A_308, %slice3A_308, %slice3A_308, %slice3A_308 in 1 : vector<256x16xf32>, vector<256x16xf32>, vector<256x16xf32>, vector<256x16xf32>, vector<256x16xf32>, vector<256x16xf32>, vector<256x16xf32>, vector<256x16xf32>, vector<256x16xf32>, vector<256x16xf32>, vector<256x16xf32>, vector<256x16xf32>, vector<256x16xf32>, vector<256x16xf32>, vector<256x16xf32>, vector<256x16xf32>, vector<256x16xf32> -> vector<256x272xf32>
    %mul3A_310 = arith.mulf %dot_general3A_44, %tile3A_309 : vector<256x272xf32>
    %add3A_311 = arith.addf %add3A_307, %mul3A_310 : vector<256x272xf32>
    %slice3A_312 = vector.extract_strided_slice %max3A_255 {offsets = [0, 224], sizes = [256, 16], strides = [1, 1]} : vector<256x272xf32> to vector<256x16xf32>
    %tile3A_313 = tpu.concatenate %slice3A_312, %slice3A_312, %slice3A_312, %slice3A_312, %slice3A_312, %slice3A_312, %slice3A_312, %slice3A_312, %slice3A_312, %slice3A_312, %slice3A_312, %slice3A_312, %slice3A_312, %slice3A_312, %slice3A_312, %slice3A_312, %slice3A_312 in 1 : vector<256x16xf32>, vector<256x16xf32>, vector<256x16xf32>, vector<256x16xf32>, vector<256x16xf32>, vector<256x16xf32>, vector<256x16xf32>, vector<256x16xf32>, vector<256x16xf32>, vector<256x16xf32>, vector<256x16xf32>, vector<256x16xf32>, vector<256x16xf32>, vector<256x16xf32>, vector<256x16xf32>, vector<256x16xf32>, vector<256x16xf32> -> vector<256x272xf32>
    %mul3A_314 = arith.mulf %dot_general3A_47, %tile3A_313 : vector<256x272xf32>
    %add3A_315 = arith.addf %add3A_311, %mul3A_314 : vector<256x272xf32>
    %slice3A_316 = vector.extract_strided_slice %max3A_255 {offsets = [0, 240], sizes = [256, 16], strides = [1, 1]} : vector<256x272xf32> to vector<256x16xf32>
    %tile3A_317 = tpu.concatenate %slice3A_316, %slice3A_316, %slice3A_316, %slice3A_316, %slice3A_316, %slice3A_316, %slice3A_316, %slice3A_316, %slice3A_316, %slice3A_316, %slice3A_316, %slice3A_316, %slice3A_316, %slice3A_316, %slice3A_316, %slice3A_316, %slice3A_316 in 1 : vector<256x16xf32>, vector<256x16xf32>, vector<256x16xf32>, vector<256x16xf32>, vector<256x16xf32>, vector<256x16xf32>, vector<256x16xf32>, vector<256x16xf32>, vector<256x16xf32>, vector<256x16xf32>, vector<256x16xf32>, vector<256x16xf32>, vector<256x16xf32>, vector<256x16xf32>, vector<256x16xf32>, vector<256x16xf32>, vector<256x16xf32> -> vector<256x272xf32>
    %mul3A_318 = arith.mulf %dot_general3A_50, %tile3A_317 : vector<256x272xf32>
    %add3A_319 = arith.addf %add3A_315, %mul3A_318 : vector<256x272xf32>
    %slice3A_320 = vector.extract_strided_slice %max3A_255 {offsets = [0, 256], sizes = [256, 16], strides = [1, 1]} : vector<256x272xf32> to vector<256x16xf32>
    %tile3A_321 = tpu.concatenate %slice3A_320, %slice3A_320, %slice3A_320, %slice3A_320, %slice3A_320, %slice3A_320, %slice3A_320, %slice3A_320, %slice3A_320, %slice3A_320, %slice3A_320, %slice3A_320, %slice3A_320, %slice3A_320, %slice3A_320, %slice3A_320, %slice3A_320 in 1 : vector<256x16xf32>, vector<256x16xf32>, vector<256x16xf32>, vector<256x16xf32>, vector<256x16xf32>, vector<256x16xf32>, vector<256x16xf32>, vector<256x16xf32>, vector<256x16xf32>, vector<256x16xf32>, vector<256x16xf32>, vector<256x16xf32>, vector<256x16xf32>, vector<256x16xf32>, vector<256x16xf32>, vector<256x16xf32>, vector<256x16xf32> -> vector<256x272xf32>
    %mul3A_322 = arith.mulf %dot_general3A_53, %tile3A_321 : vector<256x272xf32>
    %add3A_323 = arith.addf %add3A_319, %mul3A_322 : vector<256x272xf32>
    %get3A_324 = arith.constant 4 : index
    %get3A_325 = arith.constant 0 : index
    %get3A_326 = arith.constant 0 : index
    %get3A_327 = vector.load %arg3[%get3A_324, %get3A_325, %get3A_326] : memref<6x272x272xf32, #tpu.memory_space<vmem>>, vector<1x272x272xf32>
    %get3A_328 = vector.shape_cast %get3A_327 : vector<1x272x272xf32> to vector<272x272xf32>
    %dot_general3A_329 = arith.constant dense<0.000000e+00> : vector<256x272xf32>
    %dot_general3A_330 = tpu.matmul %add3A_323, %get3A_328, %dot_general3A_329 {dimension_numbers = #tpu.dot_dimension_numbers<[1], [0], [0], [1], [0, 0, 1, 1], [], []>, transpose_lhs_hint = false} : vector<256x272xf32>, vector<272x272xf32>, vector<256x272xf32> -> vector<256x272xf32>
    %get3A_331 = arith.constant 4 : index
    %get3A_332 = arith.constant 0 : index
    %get3A_333 = vector.load %arg4[%get3A_331, %get3A_332] : memref<6x272xf32, #tpu.memory_space<vmem>>, vector<1x272xf32>
    %get3A_334 = vector.shape_cast %get3A_333 : vector<1x272xf32> to vector<272xf32>
    %broadcast_in_dim3A_335 = vector.shape_cast %get3A_334 : vector<272xf32> to vector<1x272xf32>
    %add3A_336 = vector.broadcast %broadcast_in_dim3A_335 : vector<1x272xf32> to vector<256x272xf32>
    %add3A_337 = arith.addf %dot_general3A_330, %add3A_336 : vector<256x272xf32>
    %max3A_338 = arith.constant 0.000000e+00 : f32
    %max3A_339 = vector.broadcast %max3A_338 : f32 to vector<256x272xf32>
    %max3A_340 = arith.maximumf %add3A_337, %max3A_339 : vector<256x272xf32>
    %get3A_341 = arith.constant 5 : index
    %get3A_342 = arith.constant 0 : index
    %get3A_343 = arith.constant 0 : index
    %get3A_344 = vector.load %arg3[%get3A_341, %get3A_342, %get3A_343] : memref<6x272x272xf32, #tpu.memory_space<vmem>>, vector<1x272x272xf32>
    %get3A_345 = vector.shape_cast %get3A_344 : vector<1x272x272xf32> to vector<272x272xf32>
    %dot_general3A_346 = arith.constant dense<0.000000e+00> : vector<256x272xf32>
    %dot_general3A_347 = tpu.matmul %max3A_340, %get3A_345, %dot_general3A_346 {dimension_numbers = #tpu.dot_dimension_numbers<[1], [0], [0], [1], [0, 0, 1, 1], [], []>, transpose_lhs_hint = false} : vector<256x272xf32>, vector<272x272xf32>, vector<256x272xf32> -> vector<256x272xf32>
    %get3A_348 = arith.constant 5 : index
    %get3A_349 = arith.constant 0 : index
    %get3A_350 = vector.load %arg4[%get3A_348, %get3A_349] : memref<6x272xf32, #tpu.memory_space<vmem>>, vector<1x272xf32>
    %get3A_351 = vector.shape_cast %get3A_350 : vector<1x272xf32> to vector<272xf32>
    %broadcast_in_dim3A_352 = vector.shape_cast %get3A_351 : vector<272xf32> to vector<1x272xf32>
    %add3A_353 = vector.broadcast %broadcast_in_dim3A_352 : vector<1x272xf32> to vector<256x272xf32>
    %add3A_354 = arith.addf %dot_general3A_347, %add3A_353 : vector<256x272xf32>
    %swap3A = arith.constant 0 : index
    %swap3A_355 = arith.constant 0 : index
    %swap3A_356 = vector.load %arg6[%swap3A, %swap3A_355] : memref<256x272xf32, #tpu.memory_space<vmem>>, vector<256x272xf32>
    tpu.vector_store %arg6[%swap3A, %swap3A_355], %add3A_354 {strides = array<i32>} : memref<256x272xf32, #tpu.memory_space<vmem>>, vector<256x272xf32>,
    return
  }
  func.func @transform_0(%arg0: i32) -> (i32, i32) {
    %c0_i32 = arith.constant 0 : i32
    %c0_i32_0 = arith.constant 0 : i32
    return %arg0, %c0_i32 : i32, i32
  }
  func.func @transform_1(%arg0: i32) -> (i32, i32) {
    %c0_i32 = arith.constant 0 : i32
    %c0_i32_0 = arith.constant 0 : i32
    return %arg0, %c0_i32 : i32, i32
  }
  func.func @transform_2(%arg0: i32) -> (i32, i32, i32) {
    %c0_i32 = arith.constant 0 : i32
    %c0_i32_0 = arith.constant 0 : i32
    %c0_i32_1 = arith.constant 0 : i32
    %c0_i32_2 = arith.constant 0 : i32
    return %c0_i32, %c0_i32_0, %c0_i32_1 : i32, i32, i32
  }
  func.func @transform_3(%arg0: i32) -> (i32, i32) {
    %c0_i32 = arith.constant 0 : i32
    %c0_i32_0 = arith.constant 0 : i32
    %c0_i32_1 = arith.constant 0 : i32
    return %c0_i32, %c0_i32_0 : i32, i32
  }
  func.func @transform_4(%arg0: i32) -> (i32, i32) {
    %c0_i32 = arith.constant 0 : i32
    %c0_i32_0 = arith.constant 0 : i32
    %c0_i32_1 = arith.constant 0 : i32
    return %c0_i32, %c0_i32_0 : i32, i32
  }
  func.func @transform_5(%arg0: i32) -> (i32, i32) {
    %c0_i32 = arith.constant 0 : i32
    %c0_i32_0 = arith.constant 0 : i32
    return %arg0, %c0_i32 : i32, i32
  }
}

module attributes {stable_mosaic.version = 14 : i64} {
  func.func @_k2_body(%arg0: i32, %arg1: memref<256x272xf32, #tpu.memory_space<vmem>>, %arg2: memref<320x272xf32, #tpu.memory_space<vmem>>, %arg3: memref<4x272xf32, #tpu.memory_space<vmem>>, %arg4: memref<256x16xf32, #tpu.memory_space<vmem>>) attributes {dimension_semantics = [#tpu.dimension_semantics<arbitrary>], iteration_bounds = array<i64: 128>, scalar_prefetch = 0 : i64, scratch_operands = 0 : i64, tpu.core_type = #tpu.core_type<tc>, window_params = [{transform_indices = @transform_0, window_bounds = array<i64: 256, 272>}, {pipeline_mode = #tpu.pipeline_mode<synchronous>, transform_indices = @transform_1, window_bounds = array<i64: 320, 272>}, {pipeline_mode = #tpu.pipeline_mode<synchronous>, transform_indices = @transform_2, window_bounds = array<i64: 4, 272>}, {transform_indices = @transform_3, window_bounds = array<i64: 256, 16>}]} {
    %get3A = arith.constant 0 : index
    %get3A_0 = arith.constant 0 : index
    %get3A_1 = vector.load %arg1[%get3A, %get3A_0] : memref<256x272xf32, #tpu.memory_space<vmem>>, vector<256x272xf32>
    %broadcast_in_dim3A = arith.constant 0.000000e+00 : f32
    %broadcast_in_dim3A_2 = vector.broadcast %broadcast_in_dim3A : f32 to vector<1x272xf32>
    %slice3A = vector.extract_strided_slice %get3A_1 {offsets = [0, 0], sizes = [255, 272], strides = [1, 1]} : vector<256x272xf32> to vector<255x272xf32>
    %concatenate3A = tpu.concatenate %broadcast_in_dim3A_2, %slice3A in 0 : vector<1x272xf32>, vector<255x272xf32> -> vector<256x272xf32>
    %add3A = arith.addf %get3A_1, %concatenate3A : vector<256x272xf32>
    %get3A_3 = arith.constant 0 : index
    %get3A_4 = arith.constant 0 : index
    %get3A_5 = vector.load %arg2[%get3A_3, %get3A_4] : memref<320x272xf32, #tpu.memory_space<vmem>>, vector<272x16xf32>
    %dot_general3A = arith.constant dense<0.000000e+00> : vector<256x16xf32>
    %dot_general3A_6 = tpu.matmul %add3A, %get3A_5, %dot_general3A {dimension_numbers = #tpu.dot_dimension_numbers<[1], [0], [0], [1], [0, 0, 1, 1], [], []>, transpose_lhs_hint = false} : vector<256x272xf32>, vector<272x16xf32>, vector<256x16xf32> -> vector<256x16xf32>
    %get3A_7 = arith.constant 0 : index
    %get3A_8 = arith.constant 0 : index
    %get3A_9 = vector.load %arg3[%get3A_7, %get3A_8] : memref<4x272xf32, #tpu.memory_space<vmem>>, vector<1x16xf32>
    %add3A_10 = vector.broadcast %get3A_9 : vector<1x16xf32> to vector<256x16xf32>
    %add3A_11 = arith.addf %dot_general3A_6, %add3A_10 : vector<256x16xf32>
    %max3A = arith.constant 0.000000e+00 : f32
    %max3A_12 = vector.broadcast %max3A : f32 to vector<256x16xf32>
    %max3A_13 = arith.maximumf %add3A_11, %max3A_12 : vector<256x16xf32>
    %get3A_14 = arith.constant 272 : index
    %get3A_15 = arith.constant 0 : index
    %get3A_16 = vector.load %arg2[%get3A_14, %get3A_15] : memref<320x272xf32, #tpu.memory_space<vmem>>, vector<16x16xf32>
    %dot_general3A_17 = arith.constant dense<0.000000e+00> : vector<256x16xf32>
    %dot_general3A_18 = tpu.matmul %max3A_13, %get3A_16, %dot_general3A_17 {dimension_numbers = #tpu.dot_dimension_numbers<[1], [0], [0], [1], [0, 0, 1, 1], [], []>, transpose_lhs_hint = false} : vector<256x16xf32>, vector<16x16xf32>, vector<256x16xf32> -> vector<256x16xf32>
    %get3A_19 = arith.constant 1 : index
    %get3A_20 = arith.constant 0 : index
    %get3A_21 = vector.load %arg3[%get3A_19, %get3A_20] : memref<4x272xf32, #tpu.memory_space<vmem>>, vector<1x16xf32>
    %add3A_22 = vector.broadcast %get3A_21 : vector<1x16xf32> to vector<256x16xf32>
    %add3A_23 = arith.addf %dot_general3A_18, %add3A_22 : vector<256x16xf32>
    %max3A_24 = arith.constant 0.000000e+00 : f32
    %max3A_25 = vector.broadcast %max3A_24 : f32 to vector<256x16xf32>
    %max3A_26 = arith.maximumf %add3A_23, %max3A_25 : vector<256x16xf32>
    %broadcast_in_dim3A_27 = arith.constant 0.000000e+00 : f32
    %broadcast_in_dim3A_28 = vector.broadcast %broadcast_in_dim3A_27 : f32 to vector<1x16xf32>
    %slice3A_29 = vector.extract_strided_slice %max3A_26 {offsets = [0, 0], sizes = [255, 16], strides = [1, 1]} : vector<256x16xf32> to vector<255x16xf32>
    %concatenate3A_30 = tpu.concatenate %broadcast_in_dim3A_28, %slice3A_29 in 0 : vector<1x16xf32>, vector<255x16xf32> -> vector<256x16xf32>
    %add3A_31 = arith.addf %max3A_26, %concatenate3A_30 : vector<256x16xf32>
    %get3A_32 = arith.constant 288 : index
    %get3A_33 = arith.constant 0 : index
    %get3A_34 = vector.load %arg2[%get3A_32, %get3A_33] : memref<320x272xf32, #tpu.memory_space<vmem>>, vector<16x16xf32>
    %dot_general3A_35 = arith.constant dense<0.000000e+00> : vector<256x16xf32>
    %dot_general3A_36 = tpu.matmul %add3A_31, %get3A_34, %dot_general3A_35 {dimension_numbers = #tpu.dot_dimension_numbers<[1], [0], [0], [1], [0, 0, 1, 1], [], []>, transpose_lhs_hint = false} : vector<256x16xf32>, vector<16x16xf32>, vector<256x16xf32> -> vector<256x16xf32>
    %get3A_37 = arith.constant 2 : index
    %get3A_38 = arith.constant 0 : index
    %get3A_39 = vector.load %arg3[%get3A_37, %get3A_38] : memref<4x272xf32, #tpu.memory_space<vmem>>, vector<1x16xf32>
    %add3A_40 = vector.broadcast %get3A_39 : vector<1x16xf32> to vector<256x16xf32>
    %add3A_41 = arith.addf %dot_general3A_36, %add3A_40 : vector<256x16xf32>
    %max3A_42 = arith.constant 0.000000e+00 : f32
    %max3A_43 = vector.broadcast %max3A_42 : f32 to vector<256x16xf32>
    %max3A_44 = arith.maximumf %add3A_41, %max3A_43 : vector<256x16xf32>
    %get3A_45 = arith.constant 304 : index
    %get3A_46 = arith.constant 0 : index
    %get3A_47 = vector.load %arg2[%get3A_45, %get3A_46] : memref<320x272xf32, #tpu.memory_space<vmem>>, vector<16x16xf32>
    %dot_general3A_48 = arith.constant dense<0.000000e+00> : vector<256x16xf32>
    %dot_general3A_49 = tpu.matmul %max3A_44, %get3A_47, %dot_general3A_48 {dimension_numbers = #tpu.dot_dimension_numbers<[1], [0], [0], [1], [0, 0, 1, 1], [], []>, transpose_lhs_hint = false} : vector<256x16xf32>, vector<16x16xf32>, vector<256x16xf32> -> vector<256x16xf32>
    %get3A_50 = arith.constant 3 : index
    %get3A_51 = arith.constant 0 : index
    %get3A_52 = vector.load %arg3[%get3A_50, %get3A_51] : memref<4x272xf32, #tpu.memory_space<vmem>>, vector<1x16xf32>
    %add3A_53 = vector.broadcast %get3A_52 : vector<1x16xf32> to vector<256x16xf32>
    %add3A_54 = arith.addf %dot_general3A_49, %add3A_53 : vector<256x16xf32>
    %swap3A = arith.constant 0 : index
    %swap3A_55 = arith.constant 0 : index
    %swap3A_56 = vector.load %arg4[%swap3A, %swap3A_55] : memref<256x16xf32, #tpu.memory_space<vmem>>, vector<256x16xf32>
    tpu.vector_store %arg4[%swap3A, %swap3A_55], %add3A_54 {strides = array<i32>} : memref<256x16xf32, #tpu.memory_space<vmem>>, vector<256x16xf32>,
    return
  }
  func.func @transform_0(%arg0: i32) -> (i32, i32) {
    %c0_i32 = arith.constant 0 : i32
    %c0_i32_0 = arith.constant 0 : i32
    return %arg0, %c0_i32 : i32, i32
  }
  func.func @transform_1(%arg0: i32) -> (i32, i32) {
    %c0_i32 = arith.constant 0 : i32
    %c0_i32_0 = arith.constant 0 : i32
    %c0_i32_1 = arith.constant 0 : i32
    return %c0_i32, %c0_i32_0 : i32, i32
  }
  func.func @transform_2(%arg0: i32) -> (i32, i32) {
    %c0_i32 = arith.constant 0 : i32
    %c0_i32_0 = arith.constant 0 : i32
    %c0_i32_1 = arith.constant 0 : i32
    return %c0_i32, %c0_i32_0 : i32, i32
  }
  func.func @transform_3(%arg0: i32) -> (i32, i32) {
    %c0_i32 = arith.constant 0 : i32
    %c0_i32_0 = arith.constant 0 : i32
    return %arg0, %c0_i32 : i32, i32
  }
}

module attributes {stable_mosaic.version = 14 : i64} {
  func.func @_k3_body(%arg0: memref<128x4096xf32, #tpu.memory_space<vmem>>, %arg1: memref<4096x64xf32, #tpu.memory_space<vmem>>, %arg2: memref<80x64xf32, #tpu.memory_space<vmem>>, %arg3: memref<9x64xf32, #tpu.memory_space<vmem>>, %arg4: memref<128x3xf32, #tpu.memory_space<vmem>>, %arg5: memref<128x3xf32, #tpu.memory_space<vmem>>, %arg6: memref<128x10xf32, #tpu.memory_space<vmem>>) attributes {dimension_semantics = [], scalar_prefetch = 0 : i64, scratch_operands = 0 : i64, tpu.core_type = #tpu.core_type<tc>} {
    %get3A = arith.constant 0 : index
    %get3A_0 = arith.constant 0 : index
    %get3A_1 = vector.load %arg0[%get3A, %get3A_0] : memref<128x4096xf32, #tpu.memory_space<vmem>>, vector<128x4096xf32>
    %get3A_2 = arith.constant 0 : index
    %get3A_3 = arith.constant 0 : index
    %get3A_4 = vector.load %arg1[%get3A_2, %get3A_3] : memref<4096x64xf32, #tpu.memory_space<vmem>>, vector<4096x64xf32>
    %dot_general3A = arith.constant dense<0.000000e+00> : vector<128x64xf32>
    %dot_general3A_5 = tpu.matmul %get3A_1, %get3A_4, %dot_general3A {dimension_numbers = #tpu.dot_dimension_numbers<[1], [0], [0], [1], [0, 0, 1, 1], [], []>, transpose_lhs_hint = false} : vector<128x4096xf32>, vector<4096x64xf32>, vector<128x64xf32> -> vector<128x64xf32>
    %get3A_6 = arith.constant 0 : index
    %get3A_7 = arith.constant 0 : index
    %get3A_8 = vector.load %arg3[%get3A_6, %get3A_7] : memref<9x64xf32, #tpu.memory_space<vmem>>, vector<1x64xf32>
    %add3A = vector.broadcast %get3A_8 : vector<1x64xf32> to vector<128x64xf32>
    %add3A_9 = arith.addf %dot_general3A_5, %add3A : vector<128x64xf32>
    %get3A_10 = arith.constant 1 : index
    %get3A_11 = arith.constant 0 : index
    %get3A_12 = vector.load %arg3[%get3A_10, %get3A_11] : memref<9x64xf32, #tpu.memory_space<vmem>>, vector<1x64xf32>
    %get3A_13 = arith.constant 2 : index
    %get3A_14 = arith.constant 0 : index
    %get3A_15 = vector.load %arg3[%get3A_13, %get3A_14] : memref<9x64xf32, #tpu.memory_space<vmem>>, vector<1x64xf32>
    %reduce_sum3A = arith.constant dense<0.000000e+00> : vector<64xf32>
    %reduce_sum3A_16 = vector.multi_reduction <add>, %add3A_9, %reduce_sum3A [0] : vector<128x64xf32> to vector<64xf32>
    %div3A = arith.constant 1.280000e+02 : f32
    %div3A_17 = vector.broadcast %div3A : f32 to vector<64xf32>
    %div3A_18 = arith.divf %reduce_sum3A_16, %div3A_17 : vector<64xf32>
    %jit3A = arith.constant 0 : i32
    %reduce_sum3A_19 = arith.constant dense<0.000000e+00> : vector<64xf32>
    %reduce_sum3A_20 = vector.multi_reduction <add>, %add3A_9, %reduce_sum3A_19 [0] : vector<128x64xf32> to vector<64xf32>
    %broadcast_in_dim3A = vector.shape_cast %reduce_sum3A_20 : vector<64xf32> to vector<1x64xf32>
    %div3A_21 = arith.constant 1.280000e+02 : f32
    %div3A_22 = vector.broadcast %div3A_21 : f32 to vector<1x64xf32>
    %div3A_23 = arith.divf %broadcast_in_dim3A, %div3A_22 : vector<1x64xf32>
    %sub3A = vector.broadcast %div3A_23 : vector<1x64xf32> to vector<128x64xf32>
    %sub3A_24 = arith.subf %add3A_9, %sub3A : vector<128x64xf32>
    %square3A = arith.mulf %sub3A_24, %sub3A_24 : vector<128x64xf32>
    %convert_element_type3A = arith.sitofp %jit3A : i32 to f32
    %sub3A_25 = arith.constant 1.280000e+02 : f32
    %sub3A_26 = arith.subf %sub3A_25, %convert_element_type3A : f32
    %reduce_sum3A_27 = arith.constant dense<0.000000e+00> : vector<64xf32>
    %reduce_sum3A_28 = vector.multi_reduction <add>, %square3A, %reduce_sum3A_27 [0] : vector<128x64xf32> to vector<64xf32>
    %div3A_29 = vector.broadcast %sub3A_26 : f32 to vector<64xf32>
    %div3A_30 = arith.divf %reduce_sum3A_28, %div3A_29 : vector<64xf32>
    %gt3A = arith.constant 0.000000e+00 : f32
    %gt3A_31 = arith.cmpf ogt, %sub3A_26, %gt3A : f32
    %jit3A_32 = arith.constant 0x7FC00000 : f32
    %broadcast_in_dim3A_33 = vector.broadcast %jit3A_32 : f32 to vector<64xf32>
    %select_n3A = arith.select %gt3A_31, %div3A_30, %broadcast_in_dim3A_33 : vector<64xf32>
    %broadcast_in_dim3A_34 = vector.shape_cast %div3A_18 : vector<64xf32> to vector<1x64xf32>
    %sub3A_35 = vector.broadcast %broadcast_in_dim3A_34 : vector<1x64xf32> to vector<128x64xf32>
    %sub3A_36 = arith.subf %add3A_9, %sub3A_35 : vector<128x64xf32>
    %add3A_37 = arith.constant 9.99999974E-6 : f32
    %add3A_38 = vector.broadcast %add3A_37 : f32 to vector<64xf32>
    %add3A_39 = arith.addf %select_n3A, %add3A_38 : vector<64xf32>
    %sqrt3A = math.sqrt %add3A_39 : vector<64xf32>
    %broadcast_in_dim3A_40 = vector.shape_cast %sqrt3A : vector<64xf32> to vector<1x64xf32>
    %div3A_41 = vector.broadcast %broadcast_in_dim3A_40 : vector<1x64xf32> to vector<128x64xf32>
    %div3A_42 = arith.divf %sub3A_36, %div3A_41 : vector<128x64xf32>
    %mul3A = vector.broadcast %get3A_12 : vector<1x64xf32> to vector<128x64xf32>
    %mul3A_43 = arith.mulf %div3A_42, %mul3A : vector<128x64xf32>
    %add3A_44 = vector.broadcast %get3A_15 : vector<1x64xf32> to vector<128x64xf32>
    %add3A_45 = arith.addf %mul3A_43, %add3A_44 : vector<128x64xf32>
    %max3A = arith.constant 0.000000e+00 : f32
    %max3A_46 = vector.broadcast %max3A : f32 to vector<128x64xf32>
    %max3A_47 = arith.maximumf %add3A_45, %max3A_46 : vector<128x64xf32>
    %get3A_48 = arith.constant 0 : index
    %get3A_49 = arith.constant 0 : index
    %get3A_50 = vector.load %arg2[%get3A_48, %get3A_49] : memref<80x64xf32, #tpu.memory_space<vmem>>, vector<64x16xf32>
    %dot_general3A_51 = arith.constant dense<0.000000e+00> : vector<128x16xf32>
    %dot_general3A_52 = tpu.matmul %max3A_47, %get3A_50, %dot_general3A_51 {dimension_numbers = #tpu.dot_dimension_numbers<[1], [0], [0], [1], [0, 0, 1, 1], [], []>, transpose_lhs_hint = false} : vector<128x64xf32>, vector<64x16xf32>, vector<128x16xf32> -> vector<128x16xf32>
    %get3A_53 = arith.constant 5 : index
    %get3A_54 = arith.constant 0 : index
    %get3A_55 = vector.load %arg3[%get3A_53, %get3A_54] : memref<9x64xf32, #tpu.memory_space<vmem>>, vector<1x16xf32>
    %add3A_56 = vector.broadcast %get3A_55 : vector<1x16xf32> to vector<128x16xf32>
    %add3A_57 = arith.addf %dot_general3A_52, %add3A_56 : vector<128x16xf32>
    %get3A_58 = arith.constant 3 : index
    %get3A_59 = arith.constant 0 : index
    %get3A_60 = vector.load %arg3[%get3A_58, %get3A_59] : memref<9x64xf32, #tpu.memory_space<vmem>>, vector<1x16xf32>
    %get3A_61 = arith.constant 4 : index
    %get3A_62 = arith.constant 0 : index
    %get3A_63 = vector.load %arg3[%get3A_61, %get3A_62] : memref<9x64xf32, #tpu.memory_space<vmem>>, vector<1x16xf32>
    %reduce_sum3A_64 = arith.constant dense<0.000000e+00> : vector<16xf32>
    %reduce_sum3A_65 = vector.multi_reduction <add>, %add3A_57, %reduce_sum3A_64 [0] : vector<128x16xf32> to vector<16xf32>
    %div3A_66 = arith.constant 1.280000e+02 : f32
    %div3A_67 = vector.broadcast %div3A_66 : f32 to vector<16xf32>
    %div3A_68 = arith.divf %reduce_sum3A_65, %div3A_67 : vector<16xf32>
    %jit3A_69 = arith.constant 0 : i32
    %reduce_sum3A_70 = arith.constant dense<0.000000e+00> : vector<16xf32>
    %reduce_sum3A_71 = vector.multi_reduction <add>, %add3A_57, %reduce_sum3A_70 [0] : vector<128x16xf32> to vector<16xf32>
    %broadcast_in_dim3A_72 = vector.shape_cast %reduce_sum3A_71 : vector<16xf32> to vector<1x16xf32>
    %div3A_73 = arith.constant 1.280000e+02 : f32
    %div3A_74 = vector.broadcast %div3A_73 : f32 to vector<1x16xf32>
    %div3A_75 = arith.divf %broadcast_in_dim3A_72, %div3A_74 : vector<1x16xf32>
    %sub3A_76 = vector.broadcast %div3A_75 : vector<1x16xf32> to vector<128x16xf32>
    %sub3A_77 = arith.subf %add3A_57, %sub3A_76 : vector<128x16xf32>
    %square3A_78 = arith.mulf %sub3A_77, %sub3A_77 : vector<128x16xf32>
    %convert_element_type3A_79 = arith.sitofp %jit3A_69 : i32 to f32
    %sub3A_80 = arith.constant 1.280000e+02 : f32
    %sub3A_81 = arith.subf %sub3A_80, %convert_element_type3A_79 : f32
    %reduce_sum3A_82 = arith.constant dense<0.000000e+00> : vector<16xf32>
    %reduce_sum3A_83 = vector.multi_reduction <add>, %square3A_78, %reduce_sum3A_82 [0] : vector<128x16xf32> to vector<16xf32>
    %div3A_84 = vector.broadcast %sub3A_81 : f32 to vector<16xf32>
    %div3A_85 = arith.divf %reduce_sum3A_83, %div3A_84 : vector<16xf32>
    %gt3A_86 = arith.constant 0.000000e+00 : f32
    %gt3A_87 = arith.cmpf ogt, %sub3A_81, %gt3A_86 : f32
    %jit3A_88 = arith.constant 0x7FC00000 : f32
    %broadcast_in_dim3A_89 = vector.broadcast %jit3A_88 : f32 to vector<16xf32>
    %select_n3A_90 = arith.select %gt3A_87, %div3A_85, %broadcast_in_dim3A_89 : vector<16xf32>
    %broadcast_in_dim3A_91 = vector.shape_cast %div3A_68 : vector<16xf32> to vector<1x16xf32>
    %sub3A_92 = vector.broadcast %broadcast_in_dim3A_91 : vector<1x16xf32> to vector<128x16xf32>
    %sub3A_93 = arith.subf %add3A_57, %sub3A_92 : vector<128x16xf32>
    %add3A_94 = arith.constant 9.99999974E-6 : f32
    %add3A_95 = vector.broadcast %add3A_94 : f32 to vector<16xf32>
    %add3A_96 = arith.addf %select_n3A_90, %add3A_95 : vector<16xf32>
    %sqrt3A_97 = math.sqrt %add3A_96 : vector<16xf32>
    %broadcast_in_dim3A_98 = vector.shape_cast %sqrt3A_97 : vector<16xf32> to vector<1x16xf32>
    %div3A_99 = vector.broadcast %broadcast_in_dim3A_98 : vector<1x16xf32> to vector<128x16xf32>
    %div3A_100 = arith.divf %sub3A_93, %div3A_99 : vector<128x16xf32>
    %mul3A_101 = vector.broadcast %get3A_60 : vector<1x16xf32> to vector<128x16xf32>
    %mul3A_102 = arith.mulf %div3A_100, %mul3A_101 : vector<128x16xf32>
    %add3A_103 = vector.broadcast %get3A_63 : vector<1x16xf32> to vector<128x16xf32>
    %add3A_104 = arith.addf %mul3A_102, %add3A_103 : vector<128x16xf32>
    %max3A_105 = arith.constant 0.000000e+00 : f32
    %max3A_106 = vector.broadcast %max3A_105 : f32 to vector<128x16xf32>
    %max3A_107 = arith.maximumf %add3A_104, %max3A_106 : vector<128x16xf32>
    %get3A_108 = arith.constant 64 : index
    %get3A_109 = arith.constant 0 : index
    %get3A_110 = vector.load %arg2[%get3A_108, %get3A_109] : memref<80x64xf32, #tpu.memory_space<vmem>>, vector<16x3xf32>
    %dot_general3A_111 = arith.constant dense<0.000000e+00> : vector<128x3xf32>
    %dot_general3A_112 = tpu.matmul %max3A_107, %get3A_110, %dot_general3A_111 {dimension_numbers = #tpu.dot_dimension_numbers<[1], [0], [0], [1], [0, 0, 1, 1], [], []>, transpose_lhs_hint = false} : vector<128x16xf32>, vector<16x3xf32>, vector<128x3xf32> -> vector<128x3xf32>
    %get3A_113 = arith.constant 6 : index
    %get3A_114 = arith.constant 0 : index
    %get3A_115 = vector.load %arg3[%get3A_113, %get3A_114] : memref<9x64xf32, #tpu.memory_space<vmem>>, vector<1x3xf32>
    %add3A_116 = vector.broadcast %get3A_115 : vector<1x3xf32> to vector<128x3xf32>
    %add3A_117 = arith.addf %dot_general3A_112, %add3A_116 : vector<128x3xf32>
    %swap3A = arith.constant 0 : index
    %swap3A_118 = arith.constant 0 : index
    %swap3A_119 = vector.load %arg4[%swap3A, %swap3A_118] : memref<128x3xf32, #tpu.memory_space<vmem>>, vector<128x3xf32>
    tpu.vector_store %arg4[%swap3A, %swap3A_118], %add3A_117 {strides = array<i32>} : memref<128x3xf32, #tpu.memory_space<vmem>>, vector<128x3xf32>,
    %get3A_120 = arith.constant 64 : index
    %get3A_121 = arith.constant 3 : index
    %get3A_122 = vector.load %arg2[%get3A_120, %get3A_121] : memref<80x64xf32, #tpu.memory_space<vmem>>, vector<16x3xf32>
    %dot_general3A_123 = arith.constant dense<0.000000e+00> : vector<128x3xf32>
    %dot_general3A_124 = tpu.matmul %max3A_107, %get3A_122, %dot_general3A_123 {dimension_numbers = #tpu.dot_dimension_numbers<[1], [0], [0], [1], [0, 0, 1, 1], [], []>, transpose_lhs_hint = false} : vector<128x16xf32>, vector<16x3xf32>, vector<128x3xf32> -> vector<128x3xf32>
    %get3A_125 = arith.constant 7 : index
    %get3A_126 = arith.constant 0 : index
    %get3A_127 = vector.load %arg3[%get3A_125, %get3A_126] : memref<9x64xf32, #tpu.memory_space<vmem>>, vector<1x3xf32>
    %add3A_128 = vector.broadcast %get3A_127 : vector<1x3xf32> to vector<128x3xf32>
    %add3A_129 = arith.addf %dot_general3A_124, %add3A_128 : vector<128x3xf32>
    %swap3A_130 = arith.constant 0 : index
    %swap3A_131 = arith.constant 0 : index
    %swap3A_132 = vector.load %arg5[%swap3A_130, %swap3A_131] : memref<128x3xf32, #tpu.memory_space<vmem>>, vector<128x3xf32>
    tpu.vector_store %arg5[%swap3A_130, %swap3A_131], %add3A_129 {strides = array<i32>} : memref<128x3xf32, #tpu.memory_space<vmem>>, vector<128x3xf32>,
    %get3A_133 = arith.constant 64 : index
    %get3A_134 = arith.constant 6 : index
    %get3A_135 = vector.load %arg2[%get3A_133, %get3A_134] : memref<80x64xf32, #tpu.memory_space<vmem>>, vector<16x10xf32>
    %dot_general3A_136 = arith.constant dense<0.000000e+00> : vector<128x10xf32>
    %dot_general3A_137 = tpu.matmul %max3A_107, %get3A_135, %dot_general3A_136 {dimension_numbers = #tpu.dot_dimension_numbers<[1], [0], [0], [1], [0, 0, 1, 1], [], []>, transpose_lhs_hint = false} : vector<128x16xf32>, vector<16x10xf32>, vector<128x10xf32> -> vector<128x10xf32>
    %get3A_138 = arith.constant 8 : index
    %get3A_139 = arith.constant 0 : index
    %get3A_140 = vector.load %arg3[%get3A_138, %get3A_139] : memref<9x64xf32, #tpu.memory_space<vmem>>, vector<1x10xf32>
    %add3A_141 = vector.broadcast %get3A_140 : vector<1x10xf32> to vector<128x10xf32>
    %add3A_142 = arith.addf %dot_general3A_137, %add3A_141 : vector<128x10xf32>
    %swap3A_143 = arith.constant 0 : index
    %swap3A_144 = arith.constant 0 : index
    %swap3A_145 = vector.load %arg6[%swap3A_143, %swap3A_144] : memref<128x10xf32, #tpu.memory_space<vmem>>, vector<128x10xf32>
    tpu.vector_store %arg6[%swap3A_143, %swap3A_144], %add3A_142 {strides = array<i32>} : memref<128x10xf32, #tpu.memory_space<vmem>>, vector<128x10xf32>,
    return
  }
}

</mosaic_0001>

<sc_bundles>
// kernel: kernel.6.cloned.1.call-start
scs
__scs_entry_jumppad:
0x0: {  	(pc) =	sbr.rel $0x88, $3  }
0x1: {  	(tag) =	ssettag $0x0;
	lr =	simm.s32 $0x1  }
0x2: {  	[smem:$0x3F7D] =	sst lr;
	_ =	strace $0xD0000000  }
0x3: {  	_ = 	snop  }
0x4: {  	_ = 	snop  }
0x5: {  	_ = 	snop  }
0x6: {  	_ = 	snop  }
0x7: {  	_ = 	snop  }
__scs_overlays_trampoline_lowered:
0x8: {  	[smem:$0x3F8C] =	sst s0  }
0x9: {  	[smem:$0x3F8D] =	sst s1  }
0xa: {  	[smem:$0x3F8E] =	sst s2  }
0xb: {  	[smem:$0x3F8F] =	sst s3  }
0xc: {  	[smem:$0x3F90] =	sst s4  }
0xd: {  	[smem:$0x3F91] =	sst s5  }
0xe: {  	[smem:$0x3F92] =	sst s6  }
0xf: {  	[smem:$0x3F93] =	sst s7  }
0x10: {  	[smem:$0x3F94] =	sst s8  }
0x11: {  	[smem:$0x3F95] =	sst s9;
	s0 =	simm.s32 @!p0 $0x0  }
0x12: {  	s1 =	sld [smem:$0x3F7B];
	s0 =	simm.s32 @p0 $0x1  }
0x13: {  	[smem:$0x3F96] =	sst s0;
	s0 =	simm.s32 @!p1 $0x0  }
0x14: {  	s2 =	sld [smem:$0x3F7A];
	s0 =	simm.s32 @p1 $0x1  }
0x15: {  	[smem:$0x3F97] =	sst s0;
	s0 =	simm.s32 @!p2 $0x0  }
0x16: {  	s3 =	sld [smem:$0x3FDB];
	s0 =	simm.s32 @p2 $0x1  }
0x17: {  	s4 =	simm.s32 $0x1BF5;
	[smem:$0x3F99] =	sst s0  }
0x18: {  	s0 =	sld [smem:$0x3F7C];
	_ =	swait.ge [sflag:s4], $0x0  }
0x19: {  	s7 =	sld [smem:$0x3F7D]  }
0x1a: {  	s8 =	sadd.s32 $0xFFFFE003, lr  }
0x1b: {  	s9 =	sadd.s32 $0xFFFFFEF7, lr;
	s5 =	simm.s32 $0xFFFFFFFF;
	p2 =	slt.u32 s8, $0xFFFFF086  }
0x1c: {  	p1 =	slt.u32 s9, $0xF7A;
	s5 =	simm.s32 @!p2 $0x0  }
0x1d: {  	s5 =	simm.s32 @p1 $0x1;
	p0 =	seq.s32 s7, s2  }
0x1e: {  	s7 =	smul.u32 @!p0 $0xF7A, s2;
	p2 =	seq.s32 @!p0 s5, $0x0  }
0x1f: {  	s9 =	smul.u32 $0xF7A, s1;
	s8 =	simm.s32 @!p0 $0x1BF5;
	p2 =	por !p2, p0  }
0x20: {  	[sflag:s8] =	ssyncset.s32 @!p0 $0xFFFFF086;
	s6 =	sadd.s32 @!p0 s3, s7;
	s7 =	simm.s32 @!p0 $0x108  }
0x21: {  	s3 =	sadd.s32 s3, s9;
	s6 =	sadd.s32 @!p0 $0x88, s6;
	s7 =	simm.s32 @p2 $0x1082  }
0x22: {  	[simem:s7], [sflag:s8] =	dma.local @!p0 [hbm:s6], $0xF7A  }
0x23: {  	s9 =	sor.u32 $0xD0000000, s2;
	s6 =	simm.s32 $0x108;
	_ =	swait.ge @!p0 [sflag:s8], $0x0  }
0x24: {  	s3 =	sadd.s32 $0x88, s3;
	s6 =	simm.s32 @!p1 $0x1082;
	[sflag:s4] =	ssyncset.s32 $0xFFFFF086  }
0x25: {  	[simem:s6], [sflag:s4] =	dma.local [hbm:s3], $0xF7A  }
0x26: {  	[smem:$0x3F7D] =	sst s1;
	(tag) =	ssettag s2;
	_ =	strace s9  }
0x27: {  	s1 =	sld [smem:$0x3F8D]  }
0x28: {  	s2 =	sld [smem:$0x3F8E]  }
0x29: {  	s4 =	sld [smem:$0x3F90]  }
0x2a: {  	p0 =	seq.s32 s5, $0x0;
	s5 =	sld [smem:$0x3F91]  }
0x2b: {  	s6 =	sld [smem:$0x3F92]  }
0x2c: {  	s7 =	sld [smem:$0x3F93]  }
0x2d: {  	s3 =	simm.s32 $0x108;
	s8 =	sld [smem:$0x3F94]  }
0x2e: {  	s3 =	simm.s32 @!p0 $0x1082;
	s9 =	sld [smem:$0x3F95]  }
0x2f: {  	lr =	sadd.s32 s0, s3;
	s0 =	sld [smem:$0x3F8C]  }
0x30: {  	s3 =	sld [smem:$0x3F8F]  }
0x31: {  	[smem:$0x3F98] =	sst s10  }
0x32: {  	s10 =	sld [smem:$0x3F96];
	_ =	sdelay $0x3  }
0x33: {  	p0 =	seq.s32 s10, $0x1;
	s10 =	sld [smem:$0x3F98];
	_ =	sdelay $0x3  }
0x34: {  	[smem:$0x3F98] =	sst s10  }
0x35: {  	s10 =	sld [smem:$0x3F97];
	_ =	sdelay $0x3  }
0x36: {  	p1 =	seq.s32 s10, $0x1;
	s10 =	sld [smem:$0x3F98];
	_ =	sdelay $0x3  }
0x37: {  	[smem:$0x3F98] =	sst s10  }
0x38: {  	s10 =	sld [smem:$0x3F99]  }
0x39: {  	_ = 	snop;
	(pc) =	sbr.ind lr, $3  }
0x3a: {  	_ = 	snop  }
0x3b: {  	_ = 	snop  }
0x3c: {  	p2 =	seq.s32 s10, $0x1;
	s10 =	sld [smem:$0x3F98]  }
0x3d: {  	_ =	shalt  }
0x3e: {  	_ =	shalt  }
0x3f: {  	_ =	shalt  }
0x40: {  	_ =	shalt  }
0x41: {  	_ =	shalt  }
0x42: {  	_ =	shalt  }
0x43: {  	_ =	shalt  }
0x44: {  	_ =	shalt  }
0x45: {  	_ =	shalt  }
0x46: {  	_ =	shalt  }
0x47: {  	_ =	shalt  }
0x48: {  	_ =	shalt  }
0x49: {  	_ =	shalt  }
0x4a: {  	_ =	shalt  }
0x4b: {  	_ =	shalt  }
0x4c: {  	_ =	shalt  }
0x4d: {  	_ =	shalt  }
0x4e: {  	_ =	shalt  }
0x4f: {  	_ =	shalt  }
0x50: {  	_ =	shalt  }
0x51: {  	_ =	shalt  }
0x52: {  	_ =	shalt  }
0x53: {  	_ =	shalt  }
0x54: {  	_ =	shalt  }
0x55: {  	_ =	shalt  }
0x56: {  	_ =	shalt  }
0x57: {  	_ =	shalt  }
0x58: {  	_ =	shalt  }
0x59: {  	_ =	shalt  }
0x5a: {  	_ =	shalt  }
0x5b: {  	_ =	shalt  }
0x5c: {  	_ =	shalt  }
0x5d: {  	_ =	shalt  }
0x5e: {  	_ =	shalt  }
0x5f: {  	_ =	shalt  }
0x60: {  	_ =	shalt  }
0x61: {  	_ =	shalt  }
0x62: {  	_ =	shalt  }
0x63: {  	_ =	shalt  }
0x64: {  	_ =	shalt  }
0x65: {  	_ =	shalt  }
0x66: {  	_ =	shalt  }
0x67: {  	_ =	shalt  }
0x68: {  	_ =	shalt  }
0x69: {  	_ =	shalt  }
0x6a: {  	_ =	shalt  }
0x6b: {  	_ =	shalt  }
0x6c: {  	_ =	shalt  }
0x6d: {  	_ =	shalt  }
0x6e: {  	_ =	shalt  }
0x6f: {  	_ =	shalt  }
0x70: {  	_ =	shalt  }
0x71: {  	_ =	shalt  }
0x72: {  	_ =	shalt  }
0x73: {  	_ =	shalt  }
0x74: {  	_ =	shalt  }
0x75: {  	_ =	shalt  }
0x76: {  	_ =	shalt  }
0x77: {  	_ =	shalt  }
0x78: {  	_ =	shalt  }
0x79: {  	_ =	shalt  }
0x7a: {  	_ =	shalt  }
0x7b: {  	_ =	shalt  }
0x7c: {  	_ =	shalt  }
0x7d: {  	_ =	shalt  }
0x7e: {  	_ =	shalt  }
0x7f: {  	_ =	shalt  }
0x80: {  	_ =	shalt  }
0x81: {  	_ =	shalt  }
0x82: {  	_ =	shalt  }
0x83: {  	_ =	shalt  }
0x84: {  	_ =	shalt  }
0x85: {  	_ =	shalt  }
0x86: {  	_ =	shalt  }
0x87: {  	_ =	shalt  }
.Lfunc_end0:
.L_simem_size_0:
called_computation.1_lowered:
.L_overlay_start_0:
0x88: {  	s2 =	sld [smem:$0x3FD9]  }
0x89: {  	s3 =	sld [smem:$0x3FFE];
	_ =	sdelay $0x1  }
0x8a: {  	s1 =	srdreg.scid  }
0x8b: {  	s0 =	sand.u32 $0x1, s1  }
0x8c: {  	s17 =	sshll.u32 s0, $0xA;
	s2 =	sadd.s32 s3, s2  }
0x8d: {  	s2 =	sadd.s32 s2, s17  }
0x8e: {  	[smem:$0x3FA4] =	sst s2  }
0x8f: {  	_ = 	snop  }
0x90: {  	(tm) =	ssettm $0x1  }
0x91: {  	s18 =	sld [smem:$0x3FFB];
	_ =	sdelay $0x3  }
0x92: {  	_ =	strace s18  }
0x93: {  	s2 =	sld [smem:$0x3FFC];
	_ =	sdelay $0x3  }
0x94: {  	_ =	strace s2  }
0x95: {  	s2 =	sld [smem:$0x3FFD];
	_ =	sdelay $0x3  }
0x96: {  	_ =	strace s2  }
0x97: {  	_ =	strace $0x8FFFFFFF  }
0x98: {  	s19 =	sld [smem:$0x3FDB];
	_ =	sdelay $0x1  }
0x99: {  	s20 =	simm.s32 $_scs_section_size  }
0x9a: {  	s4 =	simm.s32 $_size__tile_overlayer_lowered;
	s5 =	simm.s32 $_tile_overlayer_lowered  }
0x9b: {  	s6 =	simm.s32 $0x1BFF;
	s21 =	sshll.u32 s5, $0x1;
	s3 =	sadd.s32 s20, s19  }
0x9c: {  	s22 =	simm.s32 $0x0;
	s4 =	sshll.u32 s4, $0x1;
	s5 =	sadd.s32 s21, s3  }
0x9d: {  	[timem:s22], [sflag:s6] =	dma.local [hbm:s5], s4  }
0x9e: {  	_ =	swait.ge [sflag:s6], s4  }
0x9f: {  	s4 =	ssub.s32 $0x0, s4;
	[sflag:s6] =	ssyncset.done $0x0  }
0xa0: {  	[sflag:s6] =	ssyncadd.s32 s4;
	_ =	sdelay $0x1  }
0xa1: {  	s23 =	simm.s32 $0x1B8B  }
0xa2: {  	_ =	swait.ge [sflag:s23], $0x1  }
0xa3: {  	[sflag:s23] =	ssyncset.done $0x0  }
0xa4: {  	[sflag:s23] =	ssyncadd.s32 $0xFFFFFFFF  }
0xa5: {  	s4 =	sld [smem:$0x0]  }
0xa6: {  	s5 =	sand.u32 $0xFFFFFFFE, s1  }
0xa7: {  	p0 =	sne.s32 s1, s5  }
0xa8: {  	s5 =	sshll.u32 @p0 s5, $0xE  }
0xa9: {  	s5 =	sadd.s32 @p0 $0x11B8D, s5;
	s6 =	sshll.u32 @p0 s4, $0x11  }
0xaa: {  	s5 =	sor.u32 @p0 s6, s5  }
0xab: {  	[sflag:s5] =	ssyncadd.remote.s32 @p0 $0x1;
	_ =	sdelay $0x1  }
0xac: {  	s5 =	simm.s32 @p0 $0x1B8D  }
0xad: {  	_ =	swait.eq @p0 [sflag:s5], $0x1  }
0xae: {  	[sflag:s5] =	ssyncadd.s32 @p0 $0xFFFFFFFF  }
0xaf: {  	s6 =	sshll.u32 @!p0 s1, $0xE  }
0xb0: {  	s6 =	sor.u32 @!p0 $0x4000, s6;
	s5 =	simm.s32 @!p0 $0x1B8D  }
0xb1: {  	s4 =	sshll.u32 @!p0 s4, $0x11;
	s6 =	sadd.s32 @!p0 $0x11B8D, s6;
	_ =	swait.eq @!p0 [sflag:s5], $0x1  }
0xb2: {  	s4 =	sor.u32 @!p0 s4, s6;
	[sflag:s5] =	ssyncadd.s32 @!p0 $0xFFFFFFFF  }
0xb3: {  	s25 =	simm.s32 $0x1B8E;
	s24 =	sld [smem:$0x3FFE];
	[sflag:s4] =	ssyncadd.remote.s32 @!p0 $0x1  }
0xb4: {  	s26 =	simm.s32 $execute0_lowered;
	[smem:$0x3FD2] =	sst s25  }
0xb5: {  	s5 =	sshll.u32 s26, $0x1;
	_ =	strace $0x80000049;
	[dreg:$0x1] =	wrdreg $0xFFFFFFFF  }
0xb6: {  	s28 =	simm.s32 $_size_execute0_lowered;
	s3 =	sadd.s32 s3, s5;
	[dreg:$0x0] =	wrdreg $0x0  }
0xb7: {  	s5 =	sshll.u32 s28, $0x1;
	[dreg:$0x2] =	wrdreg s3  }
0xb8: {  	[dreg:$0x3] =	wrdreg s5  }
0xb9: {  	[dreg:$0x4] =	wrdreg $0xC0  }
0xba: {  	_ =	task [dreg:s22], $0x5FFFF  }
0xbb: {  	[dreg:$0x1] =	wrdreg $0xFFFFFFFF  }
0xbc: {  	[dreg:$0x0] =	wrdreg $0x60  }
0xbd: {  	[dreg:$0x2] =	wrdreg s24  }
0xbe: {  	[dreg:$0x3] =	wrdreg $0xA  }
0xbf: {  	_ =	task.clear_ibuf [dreg:s22], $0x4FFFF;
	_ =	strace $0x90000049  }
0xc0: {  	s29 =	simm.s32 $0xA;
	_ =	strace $0x8000004B  }
0xc1: {  	_ =	swait.ge [sflag:s29], $0x1  }
0xc2: {  	[sflag:s29] =	ssyncadd.s32 $0xFFFFFFFF  }
0xc3: {  	_ =	strace $0x9000004B  }
0xc4: {  	_ =	sfence  }
0xc5: {  	s30 =	sld [smem:$0x0];
	_ =	sdelay $0x2  }
0xc6: {  	s31 =	sshll.u32 s1, $0xD;
	s1 =	sshrl.u32 s1, $0x2  }
0xc7: {  	s4 =	sand.u32 $0x4000, s31;
	s1 =	sadd.s32 s1, s30  }
0xc8: {  	s0 =	sor.u32 s4, s0;
	s1 =	sshll.u32 s1, $0x11  }
0xc9: {  	s0 =	sor.u32 s1, s0  }
0xca: {  	s0 =	sadd.s32 $0x8F2B, s0  }
0xcb: {  	[sflag:s0] =	ssyncadd.remote.s32 $0x1  }
0xcc: {  	_ =	sfence.sel $0xFFFF  }
0xcd: {  	[dreg:$0x0] =	wrdreg $0xFFFFFFFF;
	(pc) =	sbr.abs _section_cstart, $3  }
0xce: {  	[dreg:$0x1] =	wrdreg $0xFFFFFFFF  }
0xcf: {  	_ =	task.clear_ibuf [dreg:s22], $0x2FFFF;
	_ =	strace $0x9FFFFFFF  }
0xd0: {  	(tm) =	ssettm $0x7FFFFFFF  }
0xd1: {  	_ =	shalt  }
tec
execute0_lowered:
.L_overlay_start_1:
0x0: {  	(tag) =	ssettag $0x1  }
0x1: {  	s4 =	rddreg [dreg:$0x0]  }
0x2: {  	s0 =	rddreg [dreg:$0x1]  }
0x3: {  	s1 =	simm.s32 $0x0;
	s2 =	srdreg.scid;
	s8 =	simm.s32 $0x1380  }
0x4: {  	s9 =	simm.s32 $0x0;
	[smem:$0x7FF] =	sst s1;
	s5 =	sand.u32 $0x1, s2  }
0x5: {  	s3 =	sadd.s32 $0x226200, s4;
	s2 =	stileid.u32;
	s6 =	ssub.s32 $0x2, s5  }
0x6: {  	s4 =	sadd.s32 $0x272400, s4;
	_ =	strace $0x8000004A;
	s7 =	sshrl.u32 s6, $0x1  }
0x7: {  	s31 =	sshll.u32 s2, $0xB;
	s5 =	sshll.u32 s5, $0xA;
	s6 =	ssub.s32 s6, s7  }
0x8: {  	v0 =	vimm.f32 $0.0e+00;
	v1 =	vimm.f32 $1.000000000e+00;
	s5 =	sor.u32 s5, s31;
	s7 =	simm.s32 $0x1;
	s6 =	smax.u32 s6, $0x1  }
.LBB2_1:
0x9: {  	s10 =	simm.s32 $0x0  }
.LBB2_2:
0xa: {  	s11 =	sshll.u32 s10, $0x6  }
0xb: {  	s11 =	sadd.s32 s5, s11  }
0xc: {  	s12 =	smul.u32 $0x4C, s11;
	_ =	sdelay $0x1  }
0xd: {  	s12 =	sshrl.u32 s12, $0x3  }
0xe: {  	s13 =	sadd.s32 s3, s12;
	s12 =	simm.s32 $0x0  }
0xf: {  	[tilespmem:s12], [sflag:$0x1] =	stream.linear.gather [hbm4b:s13+s12], $0x1310, $0x38;
	[tilespmem:$0x5F80] =	vst v63  }
0x10: {  	_ =	swait.ge [sflag:s7], $0x1310  }
0x11: {  	[sflag:s7] =	ssyncset.done $0x0  }
0x12: {  	s14 =	simm.s32 $0x0;
	s13 =	simm.s32 $0x40;
	[sflag:s7] =	ssyncadd.s32 $0xFFFFECF0  }
.LBB2_3:
0x13: {  	p0 =	sne.s32 s13, $0x12FC0;
	[tilespmem:s14+$0x1380] =	vst v0;
	s14 =	smov.u32 s13;
	s13 =	sadd.s32 $0x40, s13  }
.Ltmp0:
0x14: {  	(pc) =	sbr.rel @p0 .LBB2_3-.Ltmp0, $2  }
0x15: {  	_ =	sdelay $0x2  }
0x16: {  	s14 =	sshra.s32 s14, $0x2  }
0x17: {  	[tilespmem:s14+$0x1380] =	vst v0  }
.LBB2_5:
0x18: {  	s13 =	sshra.s32 s12, $0x2  }
0x19: {  	v2 =	vld [tilespmem:s13+$0x0];
	_ =	sdelay $0x2  }
0x1a: {  	v3 =	vld [tilespmem:s13+$0x26];
	_ =	sdelay $0x1  }
0x1b: {  	v2 =	vmul.u32 $0x11, v2;
	_ =	sdelay $0x1  }
0x1c: {  	v2 =	vadd.s32 s12, v2  }
0x1d: {  	v2 =	vadd.s32 v3, v2;
	_ =	sdelay $0x4  }
0x1e: {  	[tilespmem:v2+s8+$0x0] =	vst.idx.add.f32.msk $0xffff, v1  }
0x1f: {  	v2 =	vld [tilespmem:s13+$0x10];
	_ =	sdelay $0x2  }
0x20: {  	v3 =	vld [tilespmem:s13+$0x36];
	_ =	sdelay $0x1  }
0x21: {  	v2 =	vmul.u32 $0x11, v2;
	_ =	sdelay $0x1  }
0x22: {  	v2 =	vadd.s32 s12, v2  }
0x23: {  	v2 =	vadd.s32 v3, v2;
	_ =	sdelay $0x4  }
0x24: {  	[tilespmem:v2+s8+$0x0] =	vst.idx.add.f32.msk $0xffff, v1  }
0x25: {  	v2 =	vld [tilespmem:s13+$0x20];
	_ =	sdelay $0x2  }
0x26: {  	v3 =	vld [tilespmem:s13+$0x46];
	_ =	sdelay $0x1  }
0x27: {  	v2 =	vmul.u32 $0x11, v2;
	_ =	sdelay $0x1  }
0x28: {  	v2 =	vadd.s32 s12, v2  }
0x29: {  	p0 =	sne.s32 s12, $0x4AD0;
	v2 =	vadd.s32 v3, v2  }
.Ltmp1:
0x2a: {  	_ = 	snop;
	(pc) =	sbr.rel @p0 .LBB2_5-.Ltmp1, $2  }
0x2b: {  	_ =	sdelay $0x2  }
0x2c: {  	s12 =	sadd.s32 $0x130, s12;
	[tilespmem:v2+s8+$0x0] =	vst.idx.add.f32.msk $0x3f, v1  }
0x2d: {  	s11 =	smul.u32 $0x26, s11;
	s10 =	sadd.s32 $0x1, s10  }
0x2e: {  	p0 =	sne.s32 s10, $0x10  }
.Ltmp2:
0x2f: {  	s11 =	sadd.s32 s4, s11;
	(pc) =	sbr.rel @p0 .LBB2_2-.Ltmp2, $4  }
0x30: {  	[hbm4b:s11+s1] =	stream.linear.scatter [tilespmem:s8], [sflag:$0x1], $0x4C00, $0x38;
	[tilespmem:$0x5F80] =	vst v63  }
0x31: {  	_ =	swait.ge [sflag:s7], $0x4C00  }
0x32: {  	[sflag:s7] =	ssyncset.done $0x0  }
0x33: {  	[sflag:s7] =	ssyncadd.s32 $0xFFFFB400  }
0x34: {  	s9 =	sadd.s32 $0x1, s9  }
0x35: {  	p0 =	sne.s32 s9, s6  }
.Ltmp3:
0x36: {  	_ = 	snop;
	(pc) =	sbr.rel @p0 .LBB2_1-.Ltmp3, $1  }
0x37: {  	_ =	sdelay $0x3  }
0x38: {  	_ =	sfence.sel $0x180000  }
0x39: {  	[bflag:$0x0] =	sbarrier.arrive $0xFFFF  }
0x3a: {  	p0 =	sne.s32 s2, $0x0;
	_ =	strace $0x9000004A  }
0x3b: {  	s0 =	sadd.s32 @!p0 $0x100000, s0;
	[bflag:$0x2] =	sbarrier.arrive $0xFFFF  }
0x3c: {  	[sflag:s0] =	ssyncadd.tile.s32 @!p0 $0x1;
	_ =	shalt  }
.Lfunc_end2:
_tile_overlayer_lowered:
.L_overlay_start_2:
0x3d: {  	(tag) =	ssettag $0x2  }
0x3e: {  	s0 =	rddreg [dreg:$0x0];
	s2 =	stileid.u32  }
0x3f: {  	s1 =	rddreg [dreg:$0x1];
	p0 =	sne.s32 s2, $0x0  }
0x40: {  	s3 =	rddreg [dreg:$0x2];
	[bflag:$0x3] =	sbarrier.arrive $0xFFFF;
	s2 =	simm.s32 @!p0 $0x1C01  }
0x41: {  	[timem:s3], [sflag:s2] =	dma.local @!p0 [hbm:s0], s1  }
0x42: {  	s0 =	simm.s32 @!p0 $0x1  }
0x43: {  	_ =	swait.ge @!p0 [sflag:s0], s1  }
0x44: {  	s1 =	ssub.s32 @!p0 $0x0, s1;
	[sflag:s0] =	ssyncset.done @!p0 $0x0  }
0x45: {  	[sflag:s0] =	ssyncadd.s32 @!p0 s1  }
0x46: {  	[bflag:$0x3] =	sbarrier.arrive $0xFFFF  }
0x47: {  	_ =	shalt  }

// kernel: sparse-core-data-format-call.cloned.1.call-start
scs
called_computation_lowered:
.L_overlay_start_0:
0x0: {  	s1 =	sld [smem:$0x3FD9]  }
0x1: {  	s2 =	sld [smem:$0x3FFE];
	_ =	sdelay $0x1  }
0x2: {  	s3 =	srdreg.scid  }
0x3: {  	s0 =	sand.u32 $0x1, s3  }
0x4: {  	s17 =	sshll.u32 s0, $0xA;
	s1 =	sadd.s32 s2, s1  }
0x5: {  	s1 =	sadd.s32 s1, s17  }
0x6: {  	[smem:$0x3FA4] =	sst s1  }
0x7: {  	_ = 	snop  }
0x8: {  	(tm) =	ssettm $0x1  }
0x9: {  	s18 =	sld [smem:$0x3FFB];
	_ =	sdelay $0x3  }
0xa: {  	_ =	strace s18  }
0xb: {  	s1 =	sld [smem:$0x3FFC];
	_ =	sdelay $0x3  }
0xc: {  	_ =	strace s1  }
0xd: {  	s1 =	sld [smem:$0x3FFD];
	_ =	sdelay $0x3  }
0xe: {  	_ =	strace s1  }
0xf: {  	_ =	strace $0x8FFFFFFF  }
0x10: {  	s19 =	sld [smem:$0x3FDB];
	_ =	sdelay $0x1  }
0x11: {  	s20 =	simm.s32 $_scs_section_size  }
0x12: {  	s4 =	simm.s32 $_size__tile_overlayer_lowered;
	s5 =	simm.s32 $_tile_overlayer_lowered  }
0x13: {  	s23 =	simm.s32 $0x1BFF;
	s22 =	sshll.u32 s5, $0x1;
	s1 =	sadd.s32 s20, s19  }
0x14: {  	s6 =	simm.s32 $0x0;
	s21 =	sshll.u32 s4, $0x1;
	s4 =	sadd.s32 s22, s1  }
0x15: {  	[timem:s6], [sflag:s23] =	dma.local [hbm:s4], s21  }
0x16: {  	_ =	swait.ge [sflag:s23], s21  }
0x17: {  	s2 =	ssub.s32 $0x0, s21;
	[sflag:s23] =	ssyncset.done $0x0  }
0x18: {  	[sflag:s23] =	ssyncadd.s32 s2;
	_ =	sdelay $0x1  }
0x19: {  	s24 =	simm.s32 $0x1B8B  }
0x1a: {  	_ =	swait.ge [sflag:s24], $0x1  }
0x1b: {  	[sflag:s24] =	ssyncset.done $0x0  }
0x1c: {  	s26 =	simm.s32 $0x1B8E;
	s25 =	sld [smem:$0x3FFE];
	[sflag:s24] =	ssyncadd.s32 $0xFFFFFFFF  }
0x1d: {  	s27 =	simm.s32 $execute0_lowered;
	[smem:$0x3FD2] =	sst s26  }
0x1e: {  	s4 =	sshll.u32 s27, $0x1;
	_ =	strace $0x80000046;
	[dreg:$0x1] =	wrdreg $0xFFFFFFFF  }
0x1f: {  	s28 =	simm.s32 $_size_execute0_lowered;
	s1 =	sadd.s32 s1, s4;
	[dreg:$0x0] =	wrdreg $0x0  }
0x20: {  	s4 =	sshll.u32 s28, $0x1;
	[dreg:$0x2] =	wrdreg s1  }
0x21: {  	[dreg:$0x3] =	wrdreg s4  }
0x22: {  	[dreg:$0x4] =	wrdreg $0xC0  }
0x23: {  	_ =	task [dreg:s6], $0x5FFFF  }
0x24: {  	[dreg:$0x1] =	wrdreg $0xFFFFFFFF  }
0x25: {  	[dreg:$0x0] =	wrdreg $0x60  }
0x26: {  	[dreg:$0x2] =	wrdreg s25  }
0x27: {  	[dreg:$0x3] =	wrdreg $0x9  }
0x28: {  	_ =	task.clear_ibuf [dreg:s6], $0x4FFFF;
	_ =	strace $0x90000046  }
0x29: {  	s29 =	simm.s32 $0x9;
	_ =	strace $0x80000048  }
0x2a: {  	_ =	swait.ge [sflag:s29], $0x1  }
0x2b: {  	[sflag:s29] =	ssyncadd.s32 $0xFFFFFFFF  }
0x2c: {  	_ =	strace $0x90000048  }
0x2d: {  	_ =	sfence  }
0x2e: {  	s30 =	sld [smem:$0x0];
	_ =	sdelay $0x2  }
0x2f: {  	s31 =	sshll.u32 s3, $0xD;
	s3 =	sshrl.u32 s3, $0x2  }
0x30: {  	s2 =	sand.u32 $0x4000, s31;
	s1 =	sadd.s32 s3, s30  }
0x31: {  	s0 =	sor.u32 s2, s0;
	s1 =	sshll.u32 s1, $0x11  }
0x32: {  	s0 =	sor.u32 s1, s0  }
0x33: {  	s0 =	sadd.s32 $0x8F2B, s0  }
0x34: {  	[sflag:s0] =	ssyncadd.remote.s32 $0x1  }
0x35: {  	_ =	sfence.sel $0xFFFF  }
0x36: {  	[dreg:$0x0] =	wrdreg $0xFFFFFFFF;
	(pc) =	sbr.abs _section_cstart, $3  }
0x37: {  	[dreg:$0x1] =	wrdreg $0xFFFFFFFF  }
0x38: {  	_ =	task.clear_ibuf [dreg:s6], $0x2FFFF;
	_ =	strace $0x9FFFFFFF  }
0x39: {  	(tm) =	ssettm $0x7FFFFFFF  }
tec
execute0_lowered:
.L_overlay_start_1:
0x0: {  	(tag) =	ssettag $0x1  }
0x1: {  	s0 =	srdreg.scid;
	s7 =	rddreg [dreg:$0x0]  }
0x2: {  	s5 =	simm.s32 $0x1;
	s30 =	simm.s32 $0x2;
	s15 =	simm.s32 $0x0  }
0x3: {  	s12 =	simm.s32 $0x0;
	s17 =	simm.s32 $0x0;
	s16 =	simm.s32 $0x0  }
0x4: {  	s14 =	simm.s32 $0x0;
	s1 =	sshll.u32 s0, $0x7;
	s0 =	rddreg [dreg:$0x1]  }
0x5: {  	_ =	strace $0x80000047;
	s2 =	sand.u32 $0x80, s1;
	s1 =	stileid.u32  }
0x6: {  	[sflag:s5] =	ssyncpa.u1 $0x0;
	s8 =	sadd.s32 s2, s7;
	s3 =	sand.u32 $0x1, s1  }
0x7: {  	s4 =	sshrl.u32 s1, $0x1;
	s9 =	ssub.s32 $0x100, s2;
	s6 =	ssub.s32 $0x22, s3  }
0x8: {  	s11 =	sshrl.u32 s9, $0x7;
	s9 =	sshrl.u32 s9, $0x8;
	s10 =	sshrl.u32 s6, $0x1  }
.Ltmp0:
0x9: {  	s6 =	sand.u32 $0x1, s6;
	s11 =	sand.u32 $0x1, s11;
	(pc) =	sbr.rel .LBB1_1-.Ltmp0, $4  }
0xa: {  	s31 =	sshll.u32 s4, $0xC;
	s6 =	sadd.s32 s6, s10;
	s9 =	sadd.s32 s9, s11  }
0xb: {  	s7 =	sadd.s32 $0x116200, s7;
	s8 =	sadd.s32 s31, s8;
	s6 =	smul.u32 s6, s9  }
0xc: {  	[sflag:s30] =	ssyncpa.u1 $0x0;
	s13 =	smov.u32 s3;
	s8 =	sadd.s32 $0x6200, s8  }
0xd: {  	s10 =	simm.s32 $0x80;
	s11 =	simm.s32 $0x800;
	s9 =	sadd.s32 $0x1, s6  }
.LBB1_4:
0xe: {  	_ =	sdelay $0x3  }
0xf: {  	[tilespmem:v0+s19+$0xFFFFFFA0 ss:$0x1] =	vst.idx.msk $0xffff, v6  }
0x10: {  	v56 =	vld.idx.msk [tilespmem:v1+s20+$0x30 ss:$0x1], $0xffff;
	[tilespmem:v0+s19+$0xFFFFFFB0 ss:$0x1] =	vst.idx.msk $0xffff, v4  }
0x11: {  	v57 =	vld.idx.msk [tilespmem:v1+s20+$0xFFFFFFC0 ss:$0x1], $0xffff;
	[tilespmem:v0+s19+$0xFFFFFFC0 ss:$0x1] =	vst.idx.msk $0xffff, v2  }
0x12: {  	v58 =	vld.idx.msk [tilespmem:v1+s20+$0xFFFFFFD0 ss:$0x1], $0xffff;
	[tilespmem:v0+s19+$0xFFFFFFD0 ss:$0x1] =	vst.idx.msk $0xffff, v3  }
0x13: {  	v59 =	vld.idx.msk [tilespmem:v1+s20+$0xFFFFFFE0 ss:$0x1], $0xffff;
	[tilespmem:v0+s19+$0xFFFFFFE0 ss:$0x1] =	vst.idx.msk $0xffff, v5  }
0x14: {  	v60 =	vld.idx.msk [tilespmem:v1+s20+$0xFFFFFFF0 ss:$0x1], $0xffff;
	[tilespmem:v0+s19+$0xFFFFFFF0 ss:$0x1] =	vst.idx.msk $0xffff, v7  }
0x15: {  	v61 =	vld.idx.msk [tilespmem:v1+s20+$0x0 ss:$0x1], $0xffff;
	[tilespmem:v0+s20+$0x0 ss:$0x1] =	vst.idx.msk $0xffff, v56  }
0x16: {  	v62 =	vld.idx.msk [tilespmem:v1+s20+$0x10 ss:$0x1], $0xffff;
	[tilespmem:v0+s20+$0xFFFFFF90 ss:$0x1] =	vst.idx.msk $0xffff, v57  }
0x17: {  	v63 =	vld.idx.msk [tilespmem:v1+s20+$0x20 ss:$0x1], $0xffff;
	[tilespmem:v0+s20+$0xFFFFFFA0 ss:$0x1] =	vst.idx.msk $0xffff, v58  }
0x18: {  	[tilespmem:v0+s20+$0xFFFFFFB0 ss:$0x1] =	vst.idx.msk $0xffff, v59  }
0x19: {  	s17 =	sshll.u32 s17, $0x4;
	[tilespmem:v0+s20+$0xFFFFFFC0 ss:$0x1] =	vst.idx.msk $0xffff, v60  }
0x1a: {  	s16 =	sshll.u32 s16, $0xF;
	s17 =	sand.u32 $0x70, s17;
	[tilespmem:v0+s20+$0xFFFFFFD0 ss:$0x1] =	vst.idx.msk $0xffff, v61  }
0x1b: {  	s16 =	sadd.s32 s7, s16;
	s15 =	sor.u32 s17, s15;
	[tilespmem:v0+s20+$0xFFFFFFE0 ss:$0x1] =	vst.idx.msk $0xffff, v62  }
0x1c: {  	s15 =	sadd.s32 s15, s16;
	[tilespmem:v0+s20+$0xFFFFFFF0 ss:$0x1] =	vst.idx.msk $0xffff, v63  }
0x1d: {  	[hbm4b:s15+s10] =	stream.strided.scatter [tilespmem:s18], [sflag:$0x2], $0x4000, s11, s10, $0x38;
	[tilespmem:$0x10000] =	vst v63  }
.LBB1_5:
0x1e: {  	s18 =	sadd.s32 $0x2, s13  }
0x1f: {  	p1 =	sgt.s32 s18, $0x21  }
0x20: {  	s18 =	smov.u32 @p1 s3;
	p1 =	sne.s32 s14, s9  }
.Ltmp1:
0x21: {  	p0 =	slt.u32 s14, $0x2;
	(pc) =	sbr.rel @!p1 .LBB1_6-.Ltmp1, $4  }
0x22: {  	s19 =	sadd.s32 $0x1, s14;
	s15 =	simm.s32 @!p0 $0x2  }
0x23: {  	s16 =	smov.u32 s13;
	s12 =	sadd.s32 $0x4000, s12;
	_ =	swait.ge @!p0 [sflag:s15], $0x4000  }
0x24: {  	s17 =	smov.u32 s4;
	s14 =	smov.u32 s19;
	[sflag:s15] =	ssyncset.done @!p0 $0x0  }
0x25: {  	s13 =	smov.u32 s18;
	[sflag:s15] =	ssyncadd.s32 @!p0 $0xFFFFC000;
	s15 =	smov.u32 s2  }
.LBB1_1:
0x26: {  	p0 =	sge.u32 s14, s6  }
0x27: {  	s31 =	sadd.s32 $0xFFFFFFFF, s14;
	s18 =	sxor.u32 @!p0 $0xFFFFFFFF, s14  }
0x28: {  	s19 =	sshll.u32 @!p0 s13, $0xF;
	s20 =	simm.s32 @!p0 $0x400;
	s18 =	sshll.u32 @!p0 s18, $0xE  }
0x29: {  	s21 =	simm.s32 @!p0 $0x800;
	s19 =	sadd.s32 @!p0 s19, s8;
	s18 =	sand.u32 @!p0 $0x4000, s18  }
0x2a: {  	[tilespmem:s18], [sflag:$0x1] =	stream.strided.gather @!p0 [hbm4b:s19+s20], $0x4000, s21, s20, $0x38;
	[tilespmem:$0x10000] =	vst v63  }
0x2b: {  	p0 =	sge.u32 s31, s6  }
.Ltmp2:
0x2c: {  	_ = 	snop;
	(pc) =	sbr.rel @p0 .LBB1_5-.Ltmp2, $1  }
0x2d: {  	_ =	sdelay $0x3  }
0x2e: {  	s18 =	sand.u32 $0x4000, s12  }
0x2f: {  	s19 =	sor.u32 $0x40, s18  }
0x30: {  	v1 =	vmov s19;
	_ =	sdelay $0x1  }
0x31: {  	_ =	swait.ge [sflag:s5], $0x4000  }
0x32: {  	[sflag:s5] =	ssyncset.done $0x0  }
0x33: {  	[sflag:s5] =	ssyncadd.s32 $0xFFFFC000;
	s19 =	simm.s32 $0x0  }
0x34: {  	s18 =	sor.u32 $0x8070, s18;
	v7 =	vld.idx.msk [tilespmem:v1+s19+$0x30 ss:$0x1], $0xffff  }
0x35: {  	v0 =	vmov s18;
	v8 =	vld.idx.msk [tilespmem:v1+s19+$0xFFFFFFC0 ss:$0x1], $0xffff  }
0x36: {  	v6 =	vld.idx.msk [tilespmem:v1+s19+$0xFFFFFFD0 ss:$0x1], $0xffff  }
0x37: {  	v4 =	vld.idx.msk [tilespmem:v1+s19+$0xFFFFFFE0 ss:$0x1], $0xffff  }
0x38: {  	v2 =	vld.idx.msk [tilespmem:v1+s19+$0xFFFFFFF0 ss:$0x1], $0xffff  }
0x39: {  	s31 =	sshll.u32 s14, $0xE;
	v3 =	vld.idx.msk [tilespmem:v1+s19+$0x0 ss:$0x1], $0xffff  }
0x3a: {  	s18 =	sand.u32 $0x4000, s31;
	v5 =	vld.idx.msk [tilespmem:v1+s19+$0x10 ss:$0x1], $0xffff;
	[tilespmem:v0+s19+$0x0 ss:$0x1] =	vst.idx.msk $0xffff, v7  }
0x3b: {  	s20 =	simm.s32 $0x80;
	s21 =	simm.s32 $0x400;
	s18 =	sor.u32 $0x8000, s18;
	[tilespmem:v0+s19+$0xFFFFFF90 ss:$0x1] =	vst.idx.msk $0xffff, v8;
	v7 =	vld.idx.msk [tilespmem:v1+s19+$0x20 ss:$0x1], $0xffff  }
.LBB1_3:
0x3c: {  	p0 =	sne.s32 s21, $0xFE00;
	v8 =	vld.idx.msk [tilespmem:v1+s20+$0x30 ss:$0x1], $0xffff;
	[tilespmem:v0+s19+$0xFFFFFFA0 ss:$0x1] =	vst.idx.msk $0xffff, v6  }
0x3d: {  	v9 =	vld.idx.msk [tilespmem:v1+s20+$0xFFFFFFC0 ss:$0x1], $0xffff;
	[tilespmem:v0+s19+$0xFFFFFFB0 ss:$0x1] =	vst.idx.msk $0xffff, v4  }
0x3e: {  	v6 =	vld.idx.msk [tilespmem:v1+s20+$0xFFFFFFD0 ss:$0x1], $0xffff;
	[tilespmem:v0+s19+$0xFFFFFFC0 ss:$0x1] =	vst.idx.msk $0xffff, v2  }
.Ltmp3:
0x3f: {  	v4 =	vld.idx.msk [tilespmem:v1+s20+$0xFFFFFFE0 ss:$0x1], $0xffff;
	[tilespmem:v0+s19+$0xFFFFFFD0 ss:$0x1] =	vst.idx.msk $0xffff, v3;
	(pc) =	sbr.rel @p0 .LBB1_3-.Ltmp3, $4  }
0x40: {  	v2 =	vld.idx.msk [tilespmem:v1+s20+$0xFFFFFFF0 ss:$0x1], $0xffff;
	[tilespmem:v0+s19+$0xFFFFFFE0 ss:$0x1] =	vst.idx.msk $0xffff, v5  }
0x41: {  	v3 =	vld.idx.msk [tilespmem:v1+s20+$0x0 ss:$0x1], $0xffff;
	[tilespmem:v0+s19+$0xFFFFFFF0 ss:$0x1] =	vst.idx.msk $0xffff, v7;
	s19 =	smov.u32 s20  }
0x42: {  	v5 =	vld.idx.msk [tilespmem:v1+s19+$0x10 ss:$0x1], $0xffff;
	[tilespmem:v0+s19+$0x0 ss:$0x1] =	vst.idx.msk $0xffff, v8  }
0x43: {  	s20 =	sshra.s32 s21, $0x2;
	s21 =	sadd.s32 $0x200, s21;
	[tilespmem:v0+s19+$0xFFFFFF90 ss:$0x1] =	vst.idx.msk $0xffff, v9;
	v7 =	vld.idx.msk [tilespmem:v1+s19+$0x20 ss:$0x1], $0xffff  }
.Ltmp4:
0x44: {  	_ = 	snop;
	(pc) =	sbr.rel .LBB1_4-.Ltmp4, $1  }
0x45: {  	_ =	sdelay $0x3  }
.LBB1_6:
0x46: {  	_ =	sfence.sel $0x180000  }
0x47: {  	s2 =	simm.s32 $0x1;
	[bflag:$0x0] =	sbarrier.arrive $0xFFFF  }
0x48: {  	s31 =	simm.s32 $0x2;
	[sflag:s2] =	ssyncpa.u1 $0x1  }
0x49: {  	[sflag:s31] =	ssyncpa.u1 $0x1  }
0x4a: {  	p0 =	sne.s32 s1, $0x0;
	_ =	strace $0x90000047  }
0x4b: {  	s0 =	sadd.s32 @!p0 $0x100000, s0;
	[bflag:$0x2] =	sbarrier.arrive $0xFFFF  }
0x4c: {  	[sflag:s0] =	ssyncadd.tile.s32 @!p0 $0x1;
	_ =	shalt  }
.Lfunc_end1:
_tile_overlayer_lowered:
.L_overlay_start_2:
0x4d: {  	(tag) =	ssettag $0x2  }
0x4e: {  	s0 =	rddreg [dreg:$0x0];
	s2 =	stileid.u32  }
0x4f: {  	s1 =	rddreg [dreg:$0x1];
	p0 =	sne.s32 s2, $0x0  }
0x50: {  	s3 =	rddreg [dreg:$0x2];
	[bflag:$0x3] =	sbarrier.arrive $0xFFFF;
	s2 =	simm.s32 @!p0 $0x1C01  }
0x51: {  	[timem:s3], [sflag:s2] =	dma.local @!p0 [hbm:s0], s1  }
0x52: {  	s0 =	simm.s32 @!p0 $0x1  }
0x53: {  	_ =	swait.ge @!p0 [sflag:s0], s1  }
0x54: {  	s1 =	ssub.s32 @!p0 $0x0, s1;
	[sflag:s0] =	ssyncset.done @!p0 $0x0  }
0x55: {  	[sflag:s0] =	ssyncadd.s32 @!p0 s1  }
0x56: {  	[bflag:$0x3] =	sbarrier.arrive $0xFFFF  }
0x57: {  	_ =	shalt  }

</sc_bundles>
